<compile_context>
chip_gen: v7x
topology: tpu7x:2x2x1
jax: 0.10.2.dev20260603
libtpu: 0.0.44.dev20260713+nightly
codegen_flags: <defaults>
</compile_context>

<pallas_src>
import functools

import jax
import jax.numpy as jnp
from jax import lax
from jax.experimental import pallas as pl
from jax.experimental.pallas import tpu as pltpu
from jax.experimental.pallas import tpu_sc as plsc

_A = 3
_FEAT_HW = [(128, 128), (64, 64), (32, 32), (16, 16), (8, 8)]
_KMAX = 2048
_ROWS = _KMAX // 128


def _sc_gather(table, idx):
    nidx = idx.shape[0]
    info = plsc.get_sparse_core_info()
    nw = info.num_cores * info.num_subcores
    b_per_w = nidx // nw
    mesh = plsc.VectorSubcoreMesh(core_axis_name="c", subcore_axis_name="s")

    @functools.partial(
        pl.kernel, mesh=mesh,
        out_type=jax.ShapeDtypeStruct((nidx, 128), jnp.float32),
        scratch_types=[
            pltpu.VMEM((b_per_w,), jnp.int32),
            pltpu.VMEM((b_per_w, 128), jnp.float32),
            pltpu.SemaphoreType.DMA,
        ],
    )
    def k(table_hbm, idx_hbm, out_hbm, idx_v, rows_v, sem):
        wid = lax.axis_index("s") * info.num_cores + lax.axis_index("c")
        base = wid * b_per_w
        pltpu.sync_copy(idx_hbm.at[pl.ds(base, b_per_w)], idx_v)
        pltpu.async_copy(table_hbm.at[idx_v], rows_v, sem).wait()
        pltpu.sync_copy(rows_v, out_hbm.at[pl.ds(base, b_per_w)])

    return k(table, idx)


def _conv2d(x, w, b):
    y = lax.conv_general_dilated(x, w, (1, 1), 'SAME',
                                 dimension_numbers=('NCHW', 'OIHW', 'NCHW'))
    return y + b[None, :, None, None]


def _decode_body(params_ref, anch_ref, ti_ref, off_ref, verts_ref):
    wdim = params_ref[0, 0, 0]
    hwdim = params_ref[0, 0, 1]

    ti = ti_ref[0]
    a = ti // hwdim
    rem = ti - a * hwdim
    yy = rem // wdim
    xx = rem - yy * wdim
    cx = xx.astype(jnp.float32) + 0.5
    cy = yy.astype(jnp.float32) + 0.5
    aw = jnp.where(a == 0, anch_ref[0, 0],
                   jnp.where(a == 1, anch_ref[0, 1], anch_ref[0, 2]))
    ah = jnp.where(a == 0, anch_ref[0, 3],
                   jnp.where(a == 1, anch_ref[0, 4], anch_ref[0, 5]))

    dx = off_ref[0, 0]
    dy = off_ref[0, 1]
    da = off_ref[0, 4] * 0.5
    db = off_ref[0, 5] * 0.5
    edw = off_ref[0, 6]
    edh = off_ref[0, 7]
    pw = aw * edw
    ph = ah * edh
    px = cx + dx * aw
    py = cy + dy * ah
    Da = da * pw
    Db = db * ph
    verts_ref[0, 0] = px + Da
    verts_ref[0, 1] = py - ph * 0.5
    verts_ref[0, 2] = px + pw * 0.5
    verts_ref[0, 3] = py + Db
    verts_ref[0, 4] = px - Da
    verts_ref[0, 5] = py + ph * 0.5
    verts_ref[0, 6] = px - pw * 0.5
    verts_ref[0, 7] = py - Db


def _nms_body(params_ref, supm_ref, sc_ref, verts_ref,
              outv_ref, outs_ref, keep_scr):
    k = params_ref[0, 0, 2]
    niota = (lax.broadcasted_iota(jnp.int32, (_ROWS, 128), 0) * 128
             + lax.broadcasted_iota(jnp.int32, (_ROWS, 128), 1))
    valid = niota < k
    keep_scr[...] = jnp.ones((_ROWS, 128), jnp.float32)
    lane_iota = lax.broadcasted_iota(jnp.int32, (1, 128), 1)

    def body(i, carry):
        r = i // 128
        l = i - r * 128
        krow = keep_scr[pl.ds(r, 1), :]
        ki = jnp.sum(jnp.where(lane_iota == l, krow, 0.0))

        @pl.when(ki > 0.0)
        def _():
            row = supm_ref[0, pl.ds(i, 1)]
            rowm = row.reshape(_ROWS, 128) != 0
            sup = rowm & (niota > i)
            keep_scr[...] = jnp.where(sup, 0.0, keep_scr[...])
        return carry

    lax.fori_loop(0, k, body, 0)

    keepf = keep_scr[...] * valid.astype(jnp.float32)
    for c in range(8):
        outv_ref[0, c] = verts_ref[0, c] * keepf
    outs_ref[0] = sc_ref[0] * keepf


def _run_decode(params, anch, ti, off8):
    nprob = params.shape[0]
    return pl.pallas_call(
        _decode_body,
        grid=(nprob,),
        in_specs=[
            pl.BlockSpec((1, 1, 8), lambda p: (p, 0, 0), memory_space=pltpu.SMEM),
            pl.BlockSpec((1, 8), lambda p: (0, 0), memory_space=pltpu.SMEM),
            pl.BlockSpec((1, _ROWS, 128), lambda p: (p, 0, 0)),
            pl.BlockSpec((1, 8, _ROWS, 128), lambda p: (p, 0, 0, 0)),
        ],
        out_specs=pl.BlockSpec((1, 8, _ROWS, 128), lambda p: (p, 0, 0, 0)),
        out_shape=jax.ShapeDtypeStruct((nprob, 8, _ROWS, 128), jnp.float32),
    )(params, anch, ti, off8)


def _run_nms(params, supm, sc, verts):
    nprob = params.shape[0]
    return pl.pallas_call(
        _nms_body,
        grid=(nprob,),
        in_specs=[
            pl.BlockSpec((1, 1, 8), lambda p: (p, 0, 0), memory_space=pltpu.SMEM),
            pl.BlockSpec((1, _KMAX, _ROWS, 128), lambda p: (p, 0, 0, 0)),
            pl.BlockSpec((1, _ROWS, 128), lambda p: (p, 0, 0)),
            pl.BlockSpec((1, 8, _ROWS, 128), lambda p: (p, 0, 0, 0)),
        ],
        out_specs=[
            pl.BlockSpec((1, 8, _ROWS, 128), lambda p: (p, 0, 0, 0)),
            pl.BlockSpec((1, _ROWS, 128), lambda p: (p, 0, 0)),
        ],
        out_shape=[
            jax.ShapeDtypeStruct((nprob, 8, _ROWS, 128), jnp.float32),
            jax.ShapeDtypeStruct((nprob, _ROWS, 128), jnp.float32),
        ],
        scratch_shapes=[
            pltpu.VMEM((_ROWS, 128), jnp.float32),
        ],
    )(params, supm, sc, verts)


def kernel(feat0, feat1, feat2, feat3, feat4,
           conv_w, conv_b, reg_w, reg_b, obj_w, obj_b):
    feats = [feat0, feat1, feat2, feat3, feat4]
    B = feat0.shape[0]

    ratios = jnp.array([0.5, 1.0, 2.0], dtype=jnp.float32)
    base = 8.0
    awv = base * jnp.sqrt(ratios)
    ahv = base / jnp.sqrt(ratios)
    anch = jnp.concatenate([awv, ahv, jnp.zeros((2,), jnp.float32)])[None, :]

    off_tables = []
    ti_list = []
    sc_list = []
    params_list = []
    ks = []
    lvl_off = 0
    for lvl, (x, (h, w)) in enumerate(zip(feats, _FEAT_HW)):
        t = _conv2d(x, conv_w[lvl], conv_b[lvl])
        offc = _conv2d(t, reg_w[lvl], reg_b[lvl])
        objc = _conv2d(t, obj_w[lvl], obj_b[lvl])
        hw = h * w
        n = _A * hw
        obj = objc.reshape(B, n)
        off = offc.reshape(B, _A, 6, hw).transpose(0, 1, 3, 2).reshape(B, n, 6)
        k = min(2000, n)
        ks.append(k)
        sc, ti = lax.top_k(obj, k)
        pad = _KMAX - k
        sc_list.append(jnp.pad(sc, ((0, 0), (0, pad))))
        ti_list.append(jnp.pad(ti, ((0, 0), (0, pad))))
        off_tables.append(off)
        params_list.append([w, hw, k, 0, 0, 0, 0, 0])
        lvl_off += n

    ntab = lvl_off
    table = jnp.concatenate(off_tables, axis=1).reshape(B * ntab, 6)
    table128 = jnp.pad(table, ((0, 0), (0, 122)))

    lvl_offsets = [sum(_A * hh * ww for hh, ww in _FEAT_HW[:lvl])
                   for lvl in range(5)]
    idx_all = jnp.stack([ti_list[lvl][b] + lvl_offsets[lvl] + b * ntab
                         for lvl in range(5) for b in range(B)])
    sc_all = jnp.stack([sc_list[lvl][b]
                        for lvl in range(5) for b in range(B)])
    ti_in = jnp.stack([ti_list[lvl][b]
                       for lvl in range(5) for b in range(B)])
    params = jnp.array([params_list[lvl]
                        for lvl in range(5) for b in range(B)],
                       dtype=jnp.int32)[:, None, :]

    g = _sc_gather(table128, idx_all.reshape(-1))[:, :6]
    edw = jnp.exp(g[:, 2])
    edh = jnp.exp(g[:, 3])
    off8 = jnp.concatenate([g, edw[:, None], edh[:, None]], axis=1)
    off8 = off8.reshape(10, _KMAX, 8).transpose(0, 2, 1).reshape(10, 8, _ROWS, 128)
    ti_in = ti_in.reshape(10, _ROWS, 128)
    sc_in = sc_all.reshape(10, _ROWS, 128)

    verts = _run_decode(params, anch, ti_in, off8)

    vr = verts.reshape(10, 8, _KMAX)
    x0 = jnp.minimum(jnp.minimum(vr[:, 0], vr[:, 2]),
                     jnp.minimum(vr[:, 4], vr[:, 6]))
    y0 = jnp.minimum(jnp.minimum(vr[:, 1], vr[:, 3]),
                     jnp.minimum(vr[:, 5], vr[:, 7]))
    x1 = jnp.maximum(jnp.maximum(vr[:, 0], vr[:, 2]),
                     jnp.maximum(vr[:, 4], vr[:, 6]))
    y1 = jnp.maximum(jnp.maximum(vr[:, 1], vr[:, 3]),
                     jnp.maximum(vr[:, 5], vr[:, 7]))
    area = (x1 - x0) * (y1 - y0)
    ltx = jnp.maximum(x0[:, :, None], x0[:, None, :])
    lty = jnp.maximum(y0[:, :, None], y0[:, None, :])
    rbx = jnp.minimum(x1[:, :, None], x1[:, None, :])
    rby = jnp.minimum(y1[:, :, None], y1[:, None, :])
    iw = jnp.clip(rbx - ltx, 0.0)
    ih = jnp.clip(rby - lty, 0.0)
    inter = iw * ih
    iou = inter / (area[:, :, None] + area[:, None, :] - inter + 1e-9)
    supm = (iou > 0.5).astype(jnp.bfloat16).reshape(10, _KMAX, _ROWS, 128)

    outv, outs = _run_nms(params, supm, sc_in, verts)

    outv_r = outv.reshape(10, 8, _KMAX).transpose(0, 2, 1)
    outs_r = outs.reshape(10, _KMAX)
    level_outs = []
    for lvl in range(5):
        k = ks[lvl]
        rows = [jnp.concatenate([outv_r[lvl * B + b, :k],
                                 outs_r[lvl * B + b, :k, None]], axis=-1)
                for b in range(B)]
        level_outs.append(jnp.stack(rows, axis=0))
    return jnp.concatenate(level_outs, axis=1)

# --- scband reference (transcript-rebuilt; emitter-appended) ---
"""Pipeline reference for scband-oriented-rpn-84464826843250 (READ-ONLY COPY).

The authoritative reference and input builder live on the scoring server;
editing this copy changes nothing except your own understanding.
"""

import jax, jax.numpy as jnp
import numpy as np

NUM_ANCHORS = 3
FPN_CHANNELS = 256
MID_CHANNELS = 256
FEAT_HW = [(128, 128), (64, 64), (32, 32), (16, 16), (8, 8)]
BATCH = 2
STD6 = jnp.array([1.0, 1.0, 1.0, 1.0, 0.5, 0.5], dtype=jnp.float32)


def conv2d(x, w, b):
    y = jax.lax.conv_general_dilated(x, w, (1, 1), 'SAME', dimension_numbers=('NCHW', 'OIHW', 'NCHW'))
    return y + b[None, :, None, None]


def gen_anchors(h, w):
    ratios = jnp.array([0.5, 1.0, 2.0], dtype=jnp.float32)
    base = 8.0
    aw = base * jnp.sqrt(ratios)
    ah = base / jnp.sqrt(ratios)
    cx = jnp.arange(w, dtype=jnp.float32) + 0.5
    cy = jnp.arange(h, dtype=jnp.float32) + 0.5
    A = NUM_ANCHORS
    cxg = jnp.broadcast_to(cx[None, None, :], (A, h, w))
    cyg = jnp.broadcast_to(cy[None, :, None], (A, h, w))
    awg = jnp.broadcast_to(aw[:, None, None], (A, h, w))
    ahg = jnp.broadcast_to(ah[:, None, None], (A, h, w))
    return jnp.stack([cxg, cyg, awg, ahg], axis=-1).reshape(A * h * w, 4)


def decode_offsets(off, anc):
    dx, dy, dw, dh, da, db = [off[..., i] for i in range(6)]
    ax, ay, aw, ah = [anc[..., i] for i in range(4)]
    pw = aw * jnp.exp(dw)
    ph = ah * jnp.exp(dh)
    px = ax + dx * aw
    py = ay + dy * ah
    Da = da * pw
    Db = db * ph
    v1 = jnp.stack([px + Da, py - ph / 2.0], -1)
    v2 = jnp.stack([px + pw / 2.0, py + Db], -1)
    v3 = jnp.stack([px - Da, py + ph / 2.0], -1)
    v4 = jnp.stack([px - pw / 2.0, py - Db], -1)
    return jnp.stack([v1, v2, v3, v4], axis=-2)


def verts_to_hbb(v):
    return jnp.stack([v[..., 0].min(-1), v[..., 1].min(-1), v[..., 0].max(-1), v[..., 1].max(-1)], -1)


def pairwise_iou(a, b):
    area_a = (a[:, 2] - a[:, 0]) * (a[:, 3] - a[:, 1])
    area_b = (b[:, 2] - b[:, 0]) * (b[:, 3] - b[:, 1])
    lt = jnp.maximum(a[:, None, :2], b[None, :, :2])
    rb = jnp.minimum(a[:, None, 2:], b[None, :, 2:])
    wh = jnp.clip(rb - lt, 0.0)
    inter = wh[..., 0] * wh[..., 1]
    return inter / (area_a[:, None] + area_b[None, :] - inter + 1e-9)


def _nms_keep_impl(hbb):
    n = hbb.shape[0]
    iou = pairwise_iou(hbb, hbb)
    idx = jnp.arange(n)
    def body(i, keep):
        sup = (iou[i] > 0.5) & (idx > i) & keep[i]
        return keep & (~sup)
    keep = jax.lax.fori_loop(0, n, body, jnp.ones((n,), dtype=bool))
    return keep.astype(jnp.float32)


@jax.custom_vjp
def nms_keep(hbb):
    return _nms_keep_impl(hbb)


def _nms_fwd(hbb):
    return _nms_keep_impl(hbb), hbb


def _nms_bwd(hbb, g):
    return (jnp.zeros_like(hbb),)


nms_keep.defvjp(_nms_fwd, _nms_bwd)


def forward_rpn(feats, conv_w, conv_b, reg_w, reg_b, obj_w, obj_b):
    level_outs = []
    for lvl, x in enumerate(feats):
        t = conv2d(x, conv_w[lvl], conv_b[lvl])
        b, _, h, w = t.shape
        off = conv2d(t, reg_w[lvl], reg_b[lvl])
        off = off.reshape(b, NUM_ANCHORS, 6, h, w)
        off = jnp.moveaxis(off, 2, -1).reshape(b, -1, 6)
        off = off * STD6
        obj = conv2d(t, obj_w[lvl], obj_b[lvl]).reshape(b, -1)
        anc = gen_anchors(h, w)
        verts = decode_offsets(off, anc[None, :, :])
        hbb = verts_to_hbb(verts)
        n = obj.shape[1]
        k = min(2000, n)
        per_b = []
        for bi in range(b):
            sc, ti = jax.lax.top_k(obj[bi], k)
            kb = jnp.take(hbb[bi], ti, axis=0)
            keep = nms_keep(kb)
            pv = jnp.take(verts[bi], ti, axis=0).reshape(k, 8)
            per_b.append(jnp.concatenate([pv * keep[:, None], (sc * keep)[:, None]], axis=-1))
        level_outs.append(jnp.stack(per_b, axis=0))
    return jnp.concatenate(level_outs, axis=1)


def setup_inputs(seed: int = 0):
    key = jax.random.key(seed)
    inp = {}
    for i, (h, w) in enumerate(FEAT_HW):
        inp['feat%d' % i] = jax.random.normal(jax.random.fold_in(key, i), (BATCH, FPN_CHANNELS, h, w), dtype=jnp.float32)
    L = len(FEAT_HW)
    inp['conv_w'] = jax.random.normal(jax.random.fold_in(key, 10), (L, MID_CHANNELS, FPN_CHANNELS, 3, 3), dtype=jnp.float32) * 0.02
    inp['conv_b'] = jnp.zeros((L, MID_CHANNELS), dtype=jnp.float32)
    inp['reg_w'] = jax.random.normal(jax.random.fold_in(key, 11), (L, 6 * NUM_ANCHORS, MID_CHANNELS, 1, 1), dtype=jnp.float32) * 0.02
    inp['reg_b'] = jnp.zeros((L, 6 * NUM_ANCHORS), dtype=jnp.float32)
    inp['obj_w'] = jax.random.normal(jax.random.fold_in(key, 12), (L, NUM_ANCHORS, MID_CHANNELS, 1, 1), dtype=jnp.float32) * 0.02
    inp['obj_b'] = jnp.zeros((L, NUM_ANCHORS), dtype=jnp.float32)
    return inp


def reference(feat0, feat1, feat2, feat3, feat4, conv_w, conv_b, reg_w, reg_b, obj_w, obj_b):
    return forward_rpn([feat0, feat1, feat2, feat3, feat4], conv_w, conv_b, reg_w, reg_b, obj_w, obj_b)

if __name__ == "__main__":
    import jax
    _d = setup_inputs()
    print(jax.jit(kernel)(*tuple(_d.values())))

</pallas_src>

<mosaic_0001>
#map = affine_map<(d0, d1) -> (0, 0)>
#map1 = affine_map<(d0, d1) -> (0)>
module attributes {stable_mosaic.version = 14 : i64} {
  func.func @k(%arg0: i32, %arg1: i32, %arg2: memref<130944x128xf32, #tpu.memory_space<hbm>>, %arg3: memref<20480xi32, #tpu.memory_space<hbm>>, %arg4: memref<20480x128xf32, #tpu.memory_space<hbm>>, %arg5: memref<640xi32, #tpu.memory_space<vmem>>, %arg6: memref<640x128xf32, #tpu.memory_space<vmem>>, %arg7: memref<!tpu.dma_semaphore, #tpu.memory_space<semaphore_mem>>) attributes {dimension_semantics = [#tpu.dimension_semantics<core_parallel>, #tpu.dimension_semantics<subcore_parallel>], iteration_bounds = array<i64: 2, 16>, scalar_prefetch = 0 : i64, scratch_operands = 3 : i64, tpu.core_type = #tpu.core_type<sc_vector_subcore>, window_params = [{transform_indices = #map}, {transform_indices = #map1}, {transform_indices = #map}]} {
    %mul3A = arith.constant 2 : i32
    %mul3A_0 = arith.muli %arg1, %mul3A : i32
    %add3A = arith.addi %mul3A_0, %arg0 : i32
    %mul3A_1 = arith.constant 640 : i32
    %mul3A_2 = arith.muli %add3A, %mul3A_1 : i32
    "tpu.region"() ({
      %run_scoped3A = tpu.sem_alloc : memref<!tpu.dma_semaphore, #tpu.memory_space<semaphore_mem>>
      %dma_start3A_7 = tpu.memref_slice %arg3[%mul3A_2] : memref<20480xi32, #tpu.memory_space<hbm>> -> memref<640xi32, #tpu.memory_space<hbm>>
      %dma_start3A_8 = tpu.memref_slice %arg3[%mul3A_2] : memref<20480xi32, #tpu.memory_space<hbm>> -> memref<640xi32, #tpu.memory_space<hbm>>
      tpu.enqueue_dma source(%dma_start3A_8 : memref<640xi32, #tpu.memory_space<hbm>>) target(%arg5 : memref<640xi32, #tpu.memory_space<vmem>>) target_semaphore(%run_scoped3A : memref<!tpu.dma_semaphore, #tpu.memory_space<semaphore_mem>>)
      %dma_wait3A_9 = tpu.memref_slice %arg3[%mul3A_2] : memref<20480xi32, #tpu.memory_space<hbm>> -> memref<640xi32, #tpu.memory_space<hbm>>
      %dma_wait3A_10 = tpu.memref_slice %arg3[%mul3A_2] : memref<20480xi32, #tpu.memory_space<hbm>> -> memref<640xi32, #tpu.memory_space<hbm>>
      tpu.wait_dma2 semaphore(%run_scoped3A : memref<!tpu.dma_semaphore, #tpu.memory_space<semaphore_mem>>) src(%dma_wait3A_10 : memref<640xi32, #tpu.memory_space<hbm>>) dst(%arg5 : memref<640xi32, #tpu.memory_space<vmem>>)
      tpu.yield
    }) : () -> ()
    %dma_start3A = arith.constant 0 : i32
    %dma_start3A_3 = arith.constant 0 : i32
    %dma_start3A_4 = tpu.memref_slice %arg2[%dma_start3A, %dma_start3A_3] : memref<130944x128xf32, #tpu.memory_space<hbm>> -> memref<130944x128xf32, #tpu.memory_space<hbm>>
    tpu.enqueue_indirect_dma source(%dma_start3A_4 : memref<130944x128xf32, #tpu.memory_space<hbm>>) target(%arg6 : memref<640x128xf32, #tpu.memory_space<vmem>>) offsets(%arg5 : memref<640xi32, #tpu.memory_space<vmem>>) semaphore(%arg7 : memref<!tpu.dma_semaphore, #tpu.memory_space<semaphore_mem>>)
    %dma_wait3A = arith.constant 0 : i32
    %dma_wait3A_5 = arith.constant 0 : i32
    %dma_wait3A_6 = tpu.memref_slice %arg2[%dma_wait3A, %dma_wait3A_5] : memref<130944x128xf32, #tpu.memory_space<hbm>> -> memref<130944x128xf32, #tpu.memory_space<hbm>>
    tpu.wait_indirect_dma semaphore(%arg7 : memref<!tpu.dma_semaphore, #tpu.memory_space<semaphore_mem>>) src(%dma_wait3A_6 : memref<130944x128xf32, #tpu.memory_space<hbm>>) dst(%arg6 : memref<640x128xf32, #tpu.memory_space<vmem>>)
    "tpu.region"() ({
      %run_scoped3A = tpu.sem_alloc : memref<!tpu.dma_semaphore, #tpu.memory_space<semaphore_mem>>
      %dma_start3A_7 = arith.constant 0 : i32
      %dma_start3A_8 = tpu.memref_slice %arg4[%mul3A_2, %dma_start3A_7] : memref<20480x128xf32, #tpu.memory_space<hbm>> -> memref<640x128xf32, #tpu.memory_space<hbm>>
      %dma_start3A_9 = arith.constant 0 : i32
      %dma_start3A_10 = tpu.memref_slice %arg4[%mul3A_2, %dma_start3A_9] : memref<20480x128xf32, #tpu.memory_space<hbm>> -> memref<640x128xf32, #tpu.memory_space<hbm>>
      tpu.enqueue_dma source(%arg6 : memref<640x128xf32, #tpu.memory_space<vmem>>) target(%dma_start3A_10 : memref<640x128xf32, #tpu.memory_space<hbm>>) target_semaphore(%run_scoped3A : memref<!tpu.dma_semaphore, #tpu.memory_space<semaphore_mem>>)
      %dma_wait3A_11 = arith.constant 0 : i32
      %dma_wait3A_12 = tpu.memref_slice %arg4[%mul3A_2, %dma_wait3A_11] : memref<20480x128xf32, #tpu.memory_space<hbm>> -> memref<640x128xf32, #tpu.memory_space<hbm>>
      %dma_wait3A_13 = arith.constant 0 : i32
      %dma_wait3A_14 = tpu.memref_slice %arg4[%mul3A_2, %dma_wait3A_13] : memref<20480x128xf32, #tpu.memory_space<hbm>> -> memref<640x128xf32, #tpu.memory_space<hbm>>
      tpu.wait_dma2 semaphore(%run_scoped3A : memref<!tpu.dma_semaphore, #tpu.memory_space<semaphore_mem>>) src(%arg6 : memref<640x128xf32, #tpu.memory_space<vmem>>) dst(%dma_wait3A_14 : memref<640x128xf32, #tpu.memory_space<hbm>>)
      tpu.yield
    }) : () -> ()
    return
  }
}

module attributes {stable_mosaic.version = 14 : i64} {
  func.func @_decode_body(%arg0: i32, %arg1: memref<1x1x8xi32, #tpu.memory_space<smem>>, %arg2: memref<1x8xf32, #tpu.memory_space<smem>>, %arg3: memref<1x16x128xi32, #tpu.memory_space<vmem>>, %arg4: memref<1x8x16x128xf32, #tpu.memory_space<vmem>>, %arg5: memref<1x8x16x128xf32, #tpu.memory_space<vmem>>) attributes {dimension_semantics = [#tpu.dimension_semantics<arbitrary>], iteration_bounds = array<i64: 10>, scalar_prefetch = 0 : i64, scratch_operands = 0 : i64, tpu.core_type = #tpu.core_type<tc>, window_params = [{transform_indices = @transform_0, window_bounds = array<i64: 1, 1, 8>}, {transform_indices = @transform_1, window_bounds = array<i64: 1, 8>}, {transform_indices = @transform_2, window_bounds = array<i64: 1, 16, 128>}, {transform_indices = @transform_3, window_bounds = array<i64: 1, 8, 16, 128>}, {transform_indices = @transform_4, window_bounds = array<i64: 1, 8, 16, 128>}]} {
    %get3A = arith.constant 0 : index
    %get3A_0 = arith.constant 0 : index
    %get3A_1 = arith.constant 0 : index
    %get3A_2 = memref.load %arg1[%get3A, %get3A_0, %get3A_1] : memref<1x1x8xi32, #tpu.memory_space<smem>>
    %get3A_3 = arith.constant 0 : index
    %get3A_4 = arith.constant 0 : index
    %get3A_5 = arith.constant 1 : index
    %get3A_6 = memref.load %arg1[%get3A_3, %get3A_4, %get3A_5] : memref<1x1x8xi32, #tpu.memory_space<smem>>
    %get3A_7 = arith.constant 0 : index
    %get3A_8 = arith.constant 0 : index
    %get3A_9 = arith.constant 0 : index
    %get3A_10 = vector.load %arg3[%get3A_7, %get3A_8, %get3A_9] : memref<1x16x128xi32, #tpu.memory_space<vmem>>, vector<1x16x128xi32>
    %get3A_11 = vector.shape_cast %get3A_10 : vector<1x16x128xi32> to vector<16x128xi32>
    %div3A = vector.broadcast %get3A_6 : i32 to vector<16x128xi32>
    %div3A_12 = arith.divsi %get3A_11, %div3A : vector<16x128xi32>
    %sign3A = arith.constant 0 : i32
    %sign3A_13 = vector.broadcast %sign3A : i32 to vector<16x128xi32>
    %sign3A_14 = arith.cmpi sgt, %get3A_11, %sign3A_13 : vector<16x128xi32>
    %sign3A_15 = arith.extui %sign3A_14 : vector<16x128xi1> to vector<16x128xi32>
    %sign3A_16 = arith.constant 0 : i32
    %sign3A_17 = vector.broadcast %sign3A_16 : i32 to vector<16x128xi32>
    %sign3A_18 = arith.cmpi slt, %get3A_11, %sign3A_17 : vector<16x128xi32>
    %sign3A_19 = arith.extui %sign3A_18 : vector<16x128xi1> to vector<16x128xi32>
    %sign3A_20 = arith.subi %sign3A_15, %sign3A_19 : vector<16x128xi32>
    %sign3A_21 = arith.constant 0 : i32
    %sign3A_22 = arith.cmpi sgt, %get3A_6, %sign3A_21 : i32
    %sign3A_23 = arith.extui %sign3A_22 : i1 to i32
    %sign3A_24 = arith.constant 0 : i32
    %sign3A_25 = arith.cmpi slt, %get3A_6, %sign3A_24 : i32
    %sign3A_26 = arith.extui %sign3A_25 : i1 to i32
    %sign3A_27 = arith.subi %sign3A_23, %sign3A_26 : i32
    %ne3A = vector.broadcast %sign3A_27 : i32 to vector<16x128xi32>
    %ne3A_28 = arith.cmpi ne, %sign3A_20, %ne3A : vector<16x128xi32>
    %rem3A = vector.broadcast %get3A_6 : i32 to vector<16x128xi32>
    %rem3A_29 = arith.remsi %get3A_11, %rem3A : vector<16x128xi32>
    %ne3A_30 = arith.constant 0 : i32
    %ne3A_31 = vector.broadcast %ne3A_30 : i32 to vector<16x128xi32>
    %ne3A_32 = arith.cmpi ne, %rem3A_29, %ne3A_31 : vector<16x128xi32>
    %and3A = arith.andi %ne3A_28, %ne3A_32 : vector<16x128xi1>
    %sub3A = arith.constant 1 : i32
    %sub3A_33 = vector.broadcast %sub3A : i32 to vector<16x128xi32>
    %sub3A_34 = arith.subi %div3A_12, %sub3A_33 : vector<16x128xi32>
    %select_n3A = arith.select %and3A, %sub3A_34, %div3A_12 : vector<16x128xi1>, vector<16x128xi32>
    %mul3A = vector.broadcast %get3A_6 : i32 to vector<16x128xi32>
    %mul3A_35 = arith.muli %select_n3A, %mul3A : vector<16x128xi32>
    %sub3A_36 = arith.subi %get3A_11, %mul3A_35 : vector<16x128xi32>
    %div3A_37 = vector.broadcast %get3A_2 : i32 to vector<16x128xi32>
    %div3A_38 = arith.divsi %sub3A_36, %div3A_37 : vector<16x128xi32>
    %sign3A_39 = arith.constant 0 : i32
    %sign3A_40 = vector.broadcast %sign3A_39 : i32 to vector<16x128xi32>
    %sign3A_41 = arith.cmpi sgt, %sub3A_36, %sign3A_40 : vector<16x128xi32>
    %sign3A_42 = arith.extui %sign3A_41 : vector<16x128xi1> to vector<16x128xi32>
    %sign3A_43 = arith.constant 0 : i32
    %sign3A_44 = vector.broadcast %sign3A_43 : i32 to vector<16x128xi32>
    %sign3A_45 = arith.cmpi slt, %sub3A_36, %sign3A_44 : vector<16x128xi32>
    %sign3A_46 = arith.extui %sign3A_45 : vector<16x128xi1> to vector<16x128xi32>
    %sign3A_47 = arith.subi %sign3A_42, %sign3A_46 : vector<16x128xi32>
    %sign3A_48 = arith.constant 0 : i32
    %sign3A_49 = arith.cmpi sgt, %get3A_2, %sign3A_48 : i32
    %sign3A_50 = arith.extui %sign3A_49 : i1 to i32
    %sign3A_51 = arith.constant 0 : i32
    %sign3A_52 = arith.cmpi slt, %get3A_2, %sign3A_51 : i32
    %sign3A_53 = arith.extui %sign3A_52 : i1 to i32
    %sign3A_54 = arith.subi %sign3A_50, %sign3A_53 : i32
    %ne3A_55 = vector.broadcast %sign3A_54 : i32 to vector<16x128xi32>
    %ne3A_56 = arith.cmpi ne, %sign3A_47, %ne3A_55 : vector<16x128xi32>
    %rem3A_57 = vector.broadcast %get3A_2 : i32 to vector<16x128xi32>
    %rem3A_58 = arith.remsi %sub3A_36, %rem3A_57 : vector<16x128xi32>
    %ne3A_59 = arith.constant 0 : i32
    %ne3A_60 = vector.broadcast %ne3A_59 : i32 to vector<16x128xi32>
    %ne3A_61 = arith.cmpi ne, %rem3A_58, %ne3A_60 : vector<16x128xi32>
    %and3A_62 = arith.andi %ne3A_56, %ne3A_61 : vector<16x128xi1>
    %sub3A_63 = arith.constant 1 : i32
    %sub3A_64 = vector.broadcast %sub3A_63 : i32 to vector<16x128xi32>
    %sub3A_65 = arith.subi %div3A_38, %sub3A_64 : vector<16x128xi32>
    %select_n3A_66 = arith.select %and3A_62, %sub3A_65, %div3A_38 : vector<16x128xi1>, vector<16x128xi32>
    %mul3A_67 = vector.broadcast %get3A_2 : i32 to vector<16x128xi32>
    %mul3A_68 = arith.muli %select_n3A_66, %mul3A_67 : vector<16x128xi32>
    %sub3A_69 = arith.subi %sub3A_36, %mul3A_68 : vector<16x128xi32>
    %convert_element_type3A = arith.sitofp %sub3A_69 : vector<16x128xi32> to vector<16x128xf32>
    %add3A = arith.constant 5.000000e-01 : f32
    %add3A_70 = vector.broadcast %add3A : f32 to vector<16x128xf32>
    %add3A_71 = arith.addf %convert_element_type3A, %add3A_70 : vector<16x128xf32>
    %convert_element_type3A_72 = arith.sitofp %select_n3A_66 : vector<16x128xi32> to vector<16x128xf32>
    %add3A_73 = arith.constant 5.000000e-01 : f32
    %add3A_74 = vector.broadcast %add3A_73 : f32 to vector<16x128xf32>
    %add3A_75 = arith.addf %convert_element_type3A_72, %add3A_74 : vector<16x128xf32>
    %eq3A = arith.constant 0 : i32
    %eq3A_76 = vector.broadcast %eq3A : i32 to vector<16x128xi32>
    %eq3A_77 = arith.cmpi eq, %select_n3A, %eq3A_76 : vector<16x128xi32>
    %get3A_78 = arith.constant 0 : index
    %get3A_79 = arith.constant 0 : index
    %get3A_80 = memref.load %arg2[%get3A_78, %get3A_79] : memref<1x8xf32, #tpu.memory_space<smem>>
    %eq3A_81 = arith.constant 1 : i32
    %eq3A_82 = vector.broadcast %eq3A_81 : i32 to vector<16x128xi32>
    %eq3A_83 = arith.cmpi eq, %select_n3A, %eq3A_82 : vector<16x128xi32>
    %get3A_84 = arith.constant 0 : index
    %get3A_85 = arith.constant 1 : index
    %get3A_86 = memref.load %arg2[%get3A_84, %get3A_85] : memref<1x8xf32, #tpu.memory_space<smem>>
    %get3A_87 = arith.constant 0 : index
    %get3A_88 = arith.constant 2 : index
    %get3A_89 = memref.load %arg2[%get3A_87, %get3A_88] : memref<1x8xf32, #tpu.memory_space<smem>>
    %broadcast_in_dim3A = vector.broadcast %get3A_86 : f32 to vector<16x128xf32>
    %broadcast_in_dim3A_90 = vector.broadcast %get3A_89 : f32 to vector<16x128xf32>
    %select_n3A_91 = arith.select %eq3A_83, %broadcast_in_dim3A, %broadcast_in_dim3A_90 : vector<16x128xi1>, vector<16x128xf32>
    %broadcast_in_dim3A_92 = vector.broadcast %get3A_80 : f32 to vector<16x128xf32>
    %select_n3A_93 = arith.select %eq3A_77, %broadcast_in_dim3A_92, %select_n3A_91 : vector<16x128xi1>, vector<16x128xf32>
    %eq3A_94 = arith.constant 0 : i32
    %eq3A_95 = vector.broadcast %eq3A_94 : i32 to vector<16x128xi32>
    %eq3A_96 = arith.cmpi eq, %select_n3A, %eq3A_95 : vector<16x128xi32>
    %get3A_97 = arith.constant 0 : index
    %get3A_98 = arith.constant 3 : index
    %get3A_99 = memref.load %arg2[%get3A_97, %get3A_98] : memref<1x8xf32, #tpu.memory_space<smem>>
    %eq3A_100 = arith.constant 1 : i32
    %eq3A_101 = vector.broadcast %eq3A_100 : i32 to vector<16x128xi32>
    %eq3A_102 = arith.cmpi eq, %select_n3A, %eq3A_101 : vector<16x128xi32>
    %get3A_103 = arith.constant 0 : index
    %get3A_104 = arith.constant 4 : index
    %get3A_105 = memref.load %arg2[%get3A_103, %get3A_104] : memref<1x8xf32, #tpu.memory_space<smem>>
    %get3A_106 = arith.constant 0 : index
    %get3A_107 = arith.constant 5 : index
    %get3A_108 = memref.load %arg2[%get3A_106, %get3A_107] : memref<1x8xf32, #tpu.memory_space<smem>>
    %broadcast_in_dim3A_109 = vector.broadcast %get3A_105 : f32 to vector<16x128xf32>
    %broadcast_in_dim3A_110 = vector.broadcast %get3A_108 : f32 to vector<16x128xf32>
    %select_n3A_111 = arith.select %eq3A_102, %broadcast_in_dim3A_109, %broadcast_in_dim3A_110 : vector<16x128xi1>, vector<16x128xf32>
    %broadcast_in_dim3A_112 = vector.broadcast %get3A_99 : f32 to vector<16x128xf32>
    %select_n3A_113 = arith.select %eq3A_96, %broadcast_in_dim3A_112, %select_n3A_111 : vector<16x128xi1>, vector<16x128xf32>
    %get3A_114 = arith.constant 0 : index
    %get3A_115 = arith.constant 0 : index
    %get3A_116 = arith.constant 0 : index
    %get3A_117 = arith.constant 0 : index
    %get3A_118 = vector.load %arg4[%get3A_114, %get3A_115, %get3A_116, %get3A_117] : memref<1x8x16x128xf32, #tpu.memory_space<vmem>>, vector<1x1x16x128xf32>
    %get3A_119 = vector.shape_cast %get3A_118 : vector<1x1x16x128xf32> to vector<16x128xf32>
    %get3A_120 = arith.constant 0 : index
    %get3A_121 = arith.constant 1 : index
    %get3A_122 = arith.constant 0 : index
    %get3A_123 = arith.constant 0 : index
    %get3A_124 = vector.load %arg4[%get3A_120, %get3A_121, %get3A_122, %get3A_123] : memref<1x8x16x128xf32, #tpu.memory_space<vmem>>, vector<1x1x16x128xf32>
    %get3A_125 = vector.shape_cast %get3A_124 : vector<1x1x16x128xf32> to vector<16x128xf32>
    %get3A_126 = arith.constant 0 : index
    %get3A_127 = arith.constant 4 : index
    %get3A_128 = arith.constant 0 : index
    %get3A_129 = arith.constant 0 : index
    %get3A_130 = vector.load %arg4[%get3A_126, %get3A_127, %get3A_128, %get3A_129] : memref<1x8x16x128xf32, #tpu.memory_space<vmem>>, vector<1x1x16x128xf32>
    %get3A_131 = vector.shape_cast %get3A_130 : vector<1x1x16x128xf32> to vector<16x128xf32>
    %mul3A_132 = arith.constant 5.000000e-01 : f32
    %mul3A_133 = vector.broadcast %mul3A_132 : f32 to vector<16x128xf32>
    %mul3A_134 = arith.mulf %get3A_131, %mul3A_133 : vector<16x128xf32>
    %get3A_135 = arith.constant 0 : index
    %get3A_136 = arith.constant 5 : index
    %get3A_137 = arith.constant 0 : index
    %get3A_138 = arith.constant 0 : index
    %get3A_139 = vector.load %arg4[%get3A_135, %get3A_136, %get3A_137, %get3A_138] : memref<1x8x16x128xf32, #tpu.memory_space<vmem>>, vector<1x1x16x128xf32>
    %get3A_140 = vector.shape_cast %get3A_139 : vector<1x1x16x128xf32> to vector<16x128xf32>
    %mul3A_141 = arith.constant 5.000000e-01 : f32
    %mul3A_142 = vector.broadcast %mul3A_141 : f32 to vector<16x128xf32>
    %mul3A_143 = arith.mulf %get3A_140, %mul3A_142 : vector<16x128xf32>
    %get3A_144 = arith.constant 0 : index
    %get3A_145 = arith.constant 6 : index
    %get3A_146 = arith.constant 0 : index
    %get3A_147 = arith.constant 0 : index
    %get3A_148 = vector.load %arg4[%get3A_144, %get3A_145, %get3A_146, %get3A_147] : memref<1x8x16x128xf32, #tpu.memory_space<vmem>>, vector<1x1x16x128xf32>
    %get3A_149 = vector.shape_cast %get3A_148 : vector<1x1x16x128xf32> to vector<16x128xf32>
    %get3A_150 = arith.constant 0 : index
    %get3A_151 = arith.constant 7 : index
    %get3A_152 = arith.constant 0 : index
    %get3A_153 = arith.constant 0 : index
    %get3A_154 = vector.load %arg4[%get3A_150, %get3A_151, %get3A_152, %get3A_153] : memref<1x8x16x128xf32, #tpu.memory_space<vmem>>, vector<1x1x16x128xf32>
    %get3A_155 = vector.shape_cast %get3A_154 : vector<1x1x16x128xf32> to vector<16x128xf32>
    %mul3A_156 = arith.mulf %select_n3A_93, %get3A_149 : vector<16x128xf32>
    %mul3A_157 = arith.mulf %select_n3A_113, %get3A_155 : vector<16x128xf32>
    %mul3A_158 = arith.mulf %get3A_119, %select_n3A_93 : vector<16x128xf32>
    %add3A_159 = arith.addf %add3A_71, %mul3A_158 : vector<16x128xf32>
    %mul3A_160 = arith.mulf %get3A_125, %select_n3A_113 : vector<16x128xf32>
    %add3A_161 = arith.addf %add3A_75, %mul3A_160 : vector<16x128xf32>
    %mul3A_162 = arith.mulf %mul3A_134, %mul3A_156 : vector<16x128xf32>
    %mul3A_163 = arith.mulf %mul3A_143, %mul3A_157 : vector<16x128xf32>
    %add3A_164 = arith.addf %add3A_159, %mul3A_162 : vector<16x128xf32>
    %swap3A = arith.constant 0 : index
    %swap3A_165 = arith.constant 0 : index
    %swap3A_166 = arith.constant 0 : index
    %swap3A_167 = arith.constant 0 : index
    %swap3A_168 = vector.load %arg5[%swap3A, %swap3A_165, %swap3A_166, %swap3A_167] : memref<1x8x16x128xf32, #tpu.memory_space<vmem>>, vector<1x1x16x128xf32>
    %swap3A_169 = vector.shape_cast %swap3A_168 : vector<1x1x16x128xf32> to vector<16x128xf32>
    %swap3A_170 = vector.shape_cast %add3A_164 : vector<16x128xf32> to vector<1x1x16x128xf32>
    tpu.vector_store %arg5[%swap3A, %swap3A_165, %swap3A_166, %swap3A_167], %swap3A_170 {strides = array<i32>} : memref<1x8x16x128xf32, #tpu.memory_space<vmem>>, vector<1x1x16x128xf32>,
    %mul3A_171 = arith.constant 5.000000e-01 : f32
    %mul3A_172 = vector.broadcast %mul3A_171 : f32 to vector<16x128xf32>
    %mul3A_173 = arith.mulf %mul3A_157, %mul3A_172 : vector<16x128xf32>
    %sub3A_174 = arith.subf %add3A_161, %mul3A_173 : vector<16x128xf32>
    %swap3A_175 = arith.constant 0 : index
    %swap3A_176 = arith.constant 1 : index
    %swap3A_177 = arith.constant 0 : index
    %swap3A_178 = arith.constant 0 : index
    %swap3A_179 = vector.load %arg5[%swap3A_175, %swap3A_176, %swap3A_177, %swap3A_178] : memref<1x8x16x128xf32, #tpu.memory_space<vmem>>, vector<1x1x16x128xf32>
    %swap3A_180 = vector.shape_cast %swap3A_179 : vector<1x1x16x128xf32> to vector<16x128xf32>
    %swap3A_181 = vector.shape_cast %sub3A_174 : vector<16x128xf32> to vector<1x1x16x128xf32>
    tpu.vector_store %arg5[%swap3A_175, %swap3A_176, %swap3A_177, %swap3A_178], %swap3A_181 {strides = array<i32>} : memref<1x8x16x128xf32, #tpu.memory_space<vmem>>, vector<1x1x16x128xf32>,
    %mul3A_182 = arith.constant 5.000000e-01 : f32
    %mul3A_183 = vector.broadcast %mul3A_182 : f32 to vector<16x128xf32>
    %mul3A_184 = arith.mulf %mul3A_156, %mul3A_183 : vector<16x128xf32>
    %add3A_185 = arith.addf %add3A_159, %mul3A_184 : vector<16x128xf32>
    %swap3A_186 = arith.constant 0 : index
    %swap3A_187 = arith.constant 2 : index
    %swap3A_188 = arith.constant 0 : index
    %swap3A_189 = arith.constant 0 : index
    %swap3A_190 = vector.load %arg5[%swap3A_186, %swap3A_187, %swap3A_188, %swap3A_189] : memref<1x8x16x128xf32, #tpu.memory_space<vmem>>, vector<1x1x16x128xf32>
    %swap3A_191 = vector.shape_cast %swap3A_190 : vector<1x1x16x128xf32> to vector<16x128xf32>
    %swap3A_192 = vector.shape_cast %add3A_185 : vector<16x128xf32> to vector<1x1x16x128xf32>
    tpu.vector_store %arg5[%swap3A_186, %swap3A_187, %swap3A_188, %swap3A_189], %swap3A_192 {strides = array<i32>} : memref<1x8x16x128xf32, #tpu.memory_space<vmem>>, vector<1x1x16x128xf32>,
    %add3A_193 = arith.addf %add3A_161, %mul3A_163 : vector<16x128xf32>
    %swap3A_194 = arith.constant 0 : index
    %swap3A_195 = arith.constant 3 : index
    %swap3A_196 = arith.constant 0 : index
    %swap3A_197 = arith.constant 0 : index
    %swap3A_198 = vector.load %arg5[%swap3A_194, %swap3A_195, %swap3A_196, %swap3A_197] : memref<1x8x16x128xf32, #tpu.memory_space<vmem>>, vector<1x1x16x128xf32>
    %swap3A_199 = vector.shape_cast %swap3A_198 : vector<1x1x16x128xf32> to vector<16x128xf32>
    %swap3A_200 = vector.shape_cast %add3A_193 : vector<16x128xf32> to vector<1x1x16x128xf32>
    tpu.vector_store %arg5[%swap3A_194, %swap3A_195, %swap3A_196, %swap3A_197], %swap3A_200 {strides = array<i32>} : memref<1x8x16x128xf32, #tpu.memory_space<vmem>>, vector<1x1x16x128xf32>,
    %sub3A_201 = arith.subf %add3A_159, %mul3A_162 : vector<16x128xf32>
    %swap3A_202 = arith.constant 0 : index
    %swap3A_203 = arith.constant 4 : index
    %swap3A_204 = arith.constant 0 : index
    %swap3A_205 = arith.constant 0 : index
    %swap3A_206 = vector.load %arg5[%swap3A_202, %swap3A_203, %swap3A_204, %swap3A_205] : memref<1x8x16x128xf32, #tpu.memory_space<vmem>>, vector<1x1x16x128xf32>
    %swap3A_207 = vector.shape_cast %swap3A_206 : vector<1x1x16x128xf32> to vector<16x128xf32>
    %swap3A_208 = vector.shape_cast %sub3A_201 : vector<16x128xf32> to vector<1x1x16x128xf32>
    tpu.vector_store %arg5[%swap3A_202, %swap3A_203, %swap3A_204, %swap3A_205], %swap3A_208 {strides = array<i32>} : memref<1x8x16x128xf32, #tpu.memory_space<vmem>>, vector<1x1x16x128xf32>,
    %mul3A_209 = arith.constant 5.000000e-01 : f32
    %mul3A_210 = vector.broadcast %mul3A_209 : f32 to vector<16x128xf32>
    %mul3A_211 = arith.mulf %mul3A_157, %mul3A_210 : vector<16x128xf32>
    %add3A_212 = arith.addf %add3A_161, %mul3A_211 : vector<16x128xf32>
    %swap3A_213 = arith.constant 0 : index
    %swap3A_214 = arith.constant 5 : index
    %swap3A_215 = arith.constant 0 : index
    %swap3A_216 = arith.constant 0 : index
    %swap3A_217 = vector.load %arg5[%swap3A_213, %swap3A_214, %swap3A_215, %swap3A_216] : memref<1x8x16x128xf32, #tpu.memory_space<vmem>>, vector<1x1x16x128xf32>
    %swap3A_218 = vector.shape_cast %swap3A_217 : vector<1x1x16x128xf32> to vector<16x128xf32>
    %swap3A_219 = vector.shape_cast %add3A_212 : vector<16x128xf32> to vector<1x1x16x128xf32>
    tpu.vector_store %arg5[%swap3A_213, %swap3A_214, %swap3A_215, %swap3A_216], %swap3A_219 {strides = array<i32>} : memref<1x8x16x128xf32, #tpu.memory_space<vmem>>, vector<1x1x16x128xf32>,
    %mul3A_220 = arith.constant 5.000000e-01 : f32
    %mul3A_221 = vector.broadcast %mul3A_220 : f32 to vector<16x128xf32>
    %mul3A_222 = arith.mulf %mul3A_156, %mul3A_221 : vector<16x128xf32>
    %sub3A_223 = arith.subf %add3A_159, %mul3A_222 : vector<16x128xf32>
    %swap3A_224 = arith.constant 0 : index
    %swap3A_225 = arith.constant 6 : index
    %swap3A_226 = arith.constant 0 : index
    %swap3A_227 = arith.constant 0 : index
    %swap3A_228 = vector.load %arg5[%swap3A_224, %swap3A_225, %swap3A_226, %swap3A_227] : memref<1x8x16x128xf32, #tpu.memory_space<vmem>>, vector<1x1x16x128xf32>
    %swap3A_229 = vector.shape_cast %swap3A_228 : vector<1x1x16x128xf32> to vector<16x128xf32>
    %swap3A_230 = vector.shape_cast %sub3A_223 : vector<16x128xf32> to vector<1x1x16x128xf32>
    tpu.vector_store %arg5[%swap3A_224, %swap3A_225, %swap3A_226, %swap3A_227], %swap3A_230 {strides = array<i32>} : memref<1x8x16x128xf32, #tpu.memory_space<vmem>>, vector<1x1x16x128xf32>,
    %sub3A_231 = arith.subf %add3A_161, %mul3A_163 : vector<16x128xf32>
    %swap3A_232 = arith.constant 0 : index
    %swap3A_233 = arith.constant 7 : index
    %swap3A_234 = arith.constant 0 : index
    %swap3A_235 = arith.constant 0 : index
    %swap3A_236 = vector.load %arg5[%swap3A_232, %swap3A_233, %swap3A_234, %swap3A_235] : memref<1x8x16x128xf32, #tpu.memory_space<vmem>>, vector<1x1x16x128xf32>
    %swap3A_237 = vector.shape_cast %swap3A_236 : vector<1x1x16x128xf32> to vector<16x128xf32>
    %swap3A_238 = vector.shape_cast %sub3A_231 : vector<16x128xf32> to vector<1x1x16x128xf32>
    tpu.vector_store %arg5[%swap3A_232, %swap3A_233, %swap3A_234, %swap3A_235], %swap3A_238 {strides = array<i32>} : memref<1x8x16x128xf32, #tpu.memory_space<vmem>>, vector<1x1x16x128xf32>,
    return
  }
  func.func @transform_0(%arg0: i32) -> (i32, i32, i32) {
    %c0_i32 = arith.constant 0 : i32
    %c0_i32_0 = arith.constant 0 : i32
    %c0_i32_1 = arith.constant 0 : i32
    return %arg0, %c0_i32, %c0_i32_0 : i32, i32, i32
  }
  func.func @transform_1(%arg0: i32) -> (i32, i32) {
    %c0_i32 = arith.constant 0 : i32
    %c0_i32_0 = arith.constant 0 : i32
    %c0_i32_1 = arith.constant 0 : i32
    return %c0_i32, %c0_i32_0 : i32, i32
  }
  func.func @transform_2(%arg0: i32) -> (i32, i32, i32) {
    %c0_i32 = arith.constant 0 : i32
    %c0_i32_0 = arith.constant 0 : i32
    %c0_i32_1 = arith.constant 0 : i32
    return %arg0, %c0_i32, %c0_i32_0 : i32, i32, i32
  }
  func.func @transform_3(%arg0: i32) -> (i32, i32, i32, i32) {
    %c0_i32 = arith.constant 0 : i32
    %c0_i32_0 = arith.constant 0 : i32
    %c0_i32_1 = arith.constant 0 : i32
    %c0_i32_2 = arith.constant 0 : i32
    return %arg0, %c0_i32, %c0_i32_0, %c0_i32_1 : i32, i32, i32, i32
  }
  func.func @transform_4(%arg0: i32) -> (i32, i32, i32, i32) {
    %c0_i32 = arith.constant 0 : i32
    %c0_i32_0 = arith.constant 0 : i32
    %c0_i32_1 = arith.constant 0 : i32
    %c0_i32_2 = arith.constant 0 : i32
    return %arg0, %c0_i32, %c0_i32_0, %c0_i32_1 : i32, i32, i32, i32
  }
}

module attributes {stable_mosaic.version = 14 : i64} {
  func.func @_nms_body(%arg0: i32, %arg1: memref<1x1x8xi32, #tpu.memory_space<smem>>, %arg2: memref<1x2048x16x128xbf16, #tpu.memory_space<vmem>>, %arg3: memref<1x16x128xf32, #tpu.memory_space<vmem>>, %arg4: memref<1x8x16x128xf32, #tpu.memory_space<vmem>>, %arg5: memref<1x8x16x128xf32, #tpu.memory_space<vmem>>, %arg6: memref<1x16x128xf32, #tpu.memory_space<vmem>>, %arg7: memref<16x128xf32, #tpu.memory_space<vmem>>) attributes {dimension_semantics = [#tpu.dimension_semantics<arbitrary>], iteration_bounds = array<i64: 10>, scalar_prefetch = 0 : i64, scratch_operands = 1 : i64, tpu.core_type = #tpu.core_type<tc>, window_params = [{transform_indices = @transform_0, window_bounds = array<i64: 1, 1, 8>}, {transform_indices = @transform_1, window_bounds = array<i64: 1, 2048, 16, 128>}, {transform_indices = @transform_2, window_bounds = array<i64: 1, 16, 128>}, {transform_indices = @transform_3, window_bounds = array<i64: 1, 8, 16, 128>}, {transform_indices = @transform_4, window_bounds = array<i64: 1, 8, 16, 128>}, {transform_indices = @transform_5, window_bounds = array<i64: 1, 16, 128>}]} {
    %get3A = arith.constant 0 : index
    %get3A_0 = arith.constant 0 : index
    %get3A_1 = arith.constant 2 : index
    %get3A_2 = memref.load %arg1[%get3A, %get3A_0, %get3A_1] : memref<1x1x8xi32, #tpu.memory_space<smem>>
    %iota3A = tpu.iota {dimensions = array<i32: 0>} : vector<16x128xi32>
    %mul3A = arith.constant 128 : i32
    %mul3A_3 = vector.broadcast %mul3A : i32 to vector<16x128xi32>
    %mul3A_4 = arith.muli %iota3A, %mul3A_3 : vector<16x128xi32>
    %iota3A_5 = tpu.iota {dimensions = array<i32: 1>} : vector<16x128xi32>
    %add3A = arith.addi %mul3A_4, %iota3A_5 : vector<16x128xi32>
    %lt3A = vector.broadcast %get3A_2 : i32 to vector<16x128xi32>
    %lt3A_6 = arith.cmpi slt, %add3A, %lt3A : vector<16x128xi32>
    %broadcast_in_dim3A = arith.constant 1.000000e+00 : f32
    %broadcast_in_dim3A_7 = vector.broadcast %broadcast_in_dim3A : f32 to vector<16x128xf32>
    %swap3A = arith.constant 0 : index
    %swap3A_8 = arith.constant 0 : index
    %swap3A_9 = vector.load %arg7[%swap3A, %swap3A_8] : memref<16x128xf32, #tpu.memory_space<vmem>>, vector<16x128xf32>
    tpu.vector_store %arg7[%swap3A, %swap3A_8], %broadcast_in_dim3A_7 {strides = array<i32>} : memref<16x128xf32, #tpu.memory_space<vmem>>, vector<16x128xf32>,
    %iota3A_10 = tpu.iota {dimensions = array<i32: 1>} : vector<1x128xi32>
    %while3A = arith.constant 0 : i32
    %while3A_11 = arith.constant 0 : i32
    %while3A_12 = arith.subi %get3A_2, %while3A_11 : i32
    %while3A_13 = arith.addi %while3A_11, %while3A_12 : i32
    %while3A_14 = arith.constant 1 : i32
    %while3A_15 = arith.divsi %while3A_12, %while3A_14 : i32
    %while3A_16 = arith.muli %while3A_15, %while3A_14 : i32
    %while3A_17 = arith.addi %while3A_11, %while3A_16 : i32
    %while3A_18 = arith.constant 1 : i32
    scf.for %while3A_149 = %while3A_11 to %while3A_17 step %while3A_18  : i32 {
      %jit3A = arith.constant 128 : i32
      %div3A = arith.divsi %while3A_149, %jit3A : i32
      %sign3A = arith.constant 0 : i32
      %sign3A_150 = arith.cmpi sgt, %while3A_149, %sign3A : i32
      %sign3A_151 = arith.extui %sign3A_150 : i1 to i32
      %sign3A_152 = arith.constant 0 : i32
      %sign3A_153 = arith.cmpi slt, %while3A_149, %sign3A_152 : i32
      %sign3A_154 = arith.extui %sign3A_153 : i1 to i32
      %sign3A_155 = arith.subi %sign3A_151, %sign3A_154 : i32
      %sign3A_156 = arith.constant 0 : i32
      %sign3A_157 = arith.cmpi sgt, %jit3A, %sign3A_156 : i32
      %sign3A_158 = arith.extui %sign3A_157 : i1 to i32
      %sign3A_159 = arith.constant 0 : i32
      %sign3A_160 = arith.cmpi slt, %jit3A, %sign3A_159 : i32
      %sign3A_161 = arith.extui %sign3A_160 : i1 to i32
      %sign3A_162 = arith.subi %sign3A_158, %sign3A_161 : i32
      %ne3A = arith.cmpi ne, %sign3A_155, %sign3A_162 : i32
      %rem3A = arith.remsi %while3A_149, %jit3A : i32
      %ne3A_163 = arith.constant 0 : i32
      %ne3A_164 = arith.cmpi ne, %rem3A, %ne3A_163 : i32
      %and3A = arith.andi %ne3A, %ne3A_164 : i1
      %sub3A = arith.constant 1 : i32
      %sub3A_165 = arith.subi %div3A, %sub3A : i32
      %select_n3A = arith.select %and3A, %sub3A_165, %div3A : i32
      %mul3A_166 = arith.constant 128 : i32
      %mul3A_167 = arith.muli %select_n3A, %mul3A_166 : i32
      %sub3A_168 = arith.subi %while3A_149, %mul3A_167 : i32
      %get3A_169 = arith.index_cast %select_n3A : i32 to index
      %get3A_170 = arith.constant 0 : index
      %get3A_171 = vector.load %arg7[%get3A_169, %get3A_170] : memref<16x128xf32, #tpu.memory_space<vmem>>, vector<1x128xf32>
      %eq3A = vector.broadcast %sub3A_168 : i32 to vector<1x128xi32>
      %eq3A_172 = arith.cmpi eq, %iota3A_10, %eq3A : vector<1x128xi32>
      %jit3A_173 = arith.constant 0.000000e+00 : f32
      %broadcast_in_dim3A_174 = vector.broadcast %jit3A_173 : f32 to vector<1x128xf32>
      %select_n3A_175 = arith.select %eq3A_172, %get3A_171, %broadcast_in_dim3A_174 : vector<1x128xi1>, vector<1x128xf32>
      %reduce_sum3A = vector.shape_cast %select_n3A_175 : vector<1x128xf32> to vector<1x1x128xf32>
      %reduce_sum3A_176 = arith.constant dense<0.000000e+00> : vector<1xf32>
      %reduce_sum3A_177 = vector.multi_reduction <add>, %reduce_sum3A, %reduce_sum3A_176 [1, 2] : vector<1x1x128xf32> to vector<1xf32>
      %reduce_sum3A_178 = vector.shape_cast %reduce_sum3A_177 : vector<1xf32> to vector<1x1x1xf32>
      %reduce_sum3A_179 = vector.extract %reduce_sum3A_178[0, 0, 0] : f32 from vector<1x1x1xf32>
      %gt3A = arith.constant 0.000000e+00 : f32
      %gt3A_180 = arith.cmpf ogt, %reduce_sum3A_179, %gt3A : f32
      %convert_element_type3A_181 = arith.extui %gt3A_180 : i1 to i32
      %cond3A = arith.constant 0 : i32
      %cond3A_182 = arith.cmpi ne, %convert_element_type3A_181, %cond3A : i32
      scf.if %cond3A_182 {
        %get3A_183 = arith.constant 0 : index
        %get3A_184 = arith.index_cast %while3A_149 : i32 to index
        %get3A_185 = arith.constant 0 : index
        %get3A_186 = arith.constant 0 : index
        %get3A_187 = vector.load %arg2[%get3A_183, %get3A_184, %get3A_185, %get3A_186] : memref<1x2048x16x128xbf16, #tpu.memory_space<vmem>>, vector<1x1x16x128xbf16>
        %get3A_188 = vector.shape_cast %get3A_187 : vector<1x1x16x128xbf16> to vector<1x16x128xbf16>
        %reshape3A = vector.shape_cast %get3A_188 : vector<1x16x128xbf16> to vector<16x128xbf16>
        %ne3A_189 = arith.constant 0.000000e+00 : bf16
        %ne3A_190 = vector.broadcast %ne3A_189 : bf16 to vector<16x128xbf16>
        %ne3A_191 = arith.cmpf one, %reshape3A, %ne3A_190 : vector<16x128xbf16>
        %gt3A_192 = vector.broadcast %while3A_149 : i32 to vector<16x128xi32>
        %gt3A_193 = arith.cmpi sgt, %add3A, %gt3A_192 : vector<16x128xi32>
        %and3A_194 = arith.andi %ne3A_191, %gt3A_193 : vector<16x128xi1>
        %get3A_195 = arith.constant 0 : index
        %get3A_196 = arith.constant 0 : index
        %get3A_197 = vector.load %arg7[%get3A_195, %get3A_196] : memref<16x128xf32, #tpu.memory_space<vmem>>, vector<16x128xf32>
        %jit3A_198 = arith.constant 0.000000e+00 : f32
        %broadcast_in_dim3A_199 = vector.broadcast %jit3A_198 : f32 to vector<16x128xf32>
        %select_n3A_200 = arith.select %and3A_194, %broadcast_in_dim3A_199, %get3A_197 : vector<16x128xi1>, vector<16x128xf32>
        %swap3A_201 = arith.constant 0 : index
        %swap3A_202 = arith.constant 0 : index
        %swap3A_203 = vector.load %arg7[%swap3A_201, %swap3A_202] : memref<16x128xf32, #tpu.memory_space<vmem>>, vector<16x128xf32>
        tpu.vector_store %arg7[%swap3A_201, %swap3A_202], %select_n3A_200 {strides = array<i32>} : memref<16x128xf32, #tpu.memory_space<vmem>>, vector<16x128xf32>,
      } else {
      }
    }
    %while3A_19 = arith.constant 1 : i32
    scf.for %while3A_149 = %while3A_17 to %while3A_13 step %while3A_19  : i32 {
      %jit3A = arith.constant 128 : i32
      %div3A = arith.divsi %while3A_149, %jit3A : i32
      %sign3A = arith.constant 0 : i32
      %sign3A_150 = arith.cmpi sgt, %while3A_149, %sign3A : i32
      %sign3A_151 = arith.extui %sign3A_150 : i1 to i32
      %sign3A_152 = arith.constant 0 : i32
      %sign3A_153 = arith.cmpi slt, %while3A_149, %sign3A_152 : i32
      %sign3A_154 = arith.extui %sign3A_153 : i1 to i32
      %sign3A_155 = arith.subi %sign3A_151, %sign3A_154 : i32
      %sign3A_156 = arith.constant 0 : i32
      %sign3A_157 = arith.cmpi sgt, %jit3A, %sign3A_156 : i32
      %sign3A_158 = arith.extui %sign3A_157 : i1 to i32
      %sign3A_159 = arith.constant 0 : i32
      %sign3A_160 = arith.cmpi slt, %jit3A, %sign3A_159 : i32
      %sign3A_161 = arith.extui %sign3A_160 : i1 to i32
      %sign3A_162 = arith.subi %sign3A_158, %sign3A_161 : i32
      %ne3A = arith.cmpi ne, %sign3A_155, %sign3A_162 : i32
      %rem3A = arith.remsi %while3A_149, %jit3A : i32
      %ne3A_163 = arith.constant 0 : i32
      %ne3A_164 = arith.cmpi ne, %rem3A, %ne3A_163 : i32
      %and3A = arith.andi %ne3A, %ne3A_164 : i1
      %sub3A = arith.constant 1 : i32
      %sub3A_165 = arith.subi %div3A, %sub3A : i32
      %select_n3A = arith.select %and3A, %sub3A_165, %div3A : i32
      %mul3A_166 = arith.constant 128 : i32
      %mul3A_167 = arith.muli %select_n3A, %mul3A_166 : i32
      %sub3A_168 = arith.subi %while3A_149, %mul3A_167 : i32
      %get3A_169 = arith.index_cast %select_n3A : i32 to index
      %get3A_170 = arith.constant 0 : index
      %get3A_171 = vector.load %arg7[%get3A_169, %get3A_170] : memref<16x128xf32, #tpu.memory_space<vmem>>, vector<1x128xf32>
      %eq3A = vector.broadcast %sub3A_168 : i32 to vector<1x128xi32>
      %eq3A_172 = arith.cmpi eq, %iota3A_10, %eq3A : vector<1x128xi32>
      %jit3A_173 = arith.constant 0.000000e+00 : f32
      %broadcast_in_dim3A_174 = vector.broadcast %jit3A_173 : f32 to vector<1x128xf32>
      %select_n3A_175 = arith.select %eq3A_172, %get3A_171, %broadcast_in_dim3A_174 : vector<1x128xi1>, vector<1x128xf32>
      %reduce_sum3A = vector.shape_cast %select_n3A_175 : vector<1x128xf32> to vector<1x1x128xf32>
      %reduce_sum3A_176 = arith.constant dense<0.000000e+00> : vector<1xf32>
      %reduce_sum3A_177 = vector.multi_reduction <add>, %reduce_sum3A, %reduce_sum3A_176 [1, 2] : vector<1x1x128xf32> to vector<1xf32>
      %reduce_sum3A_178 = vector.shape_cast %reduce_sum3A_177 : vector<1xf32> to vector<1x1x1xf32>
      %reduce_sum3A_179 = vector.extract %reduce_sum3A_178[0, 0, 0] : f32 from vector<1x1x1xf32>
      %gt3A = arith.constant 0.000000e+00 : f32
      %gt3A_180 = arith.cmpf ogt, %reduce_sum3A_179, %gt3A : f32
      %convert_element_type3A_181 = arith.extui %gt3A_180 : i1 to i32
      %cond3A = arith.constant 0 : i32
      %cond3A_182 = arith.cmpi ne, %convert_element_type3A_181, %cond3A : i32
      scf.if %cond3A_182 {
        %get3A_183 = arith.constant 0 : index
        %get3A_184 = arith.index_cast %while3A_149 : i32 to index
        %get3A_185 = arith.constant 0 : index
        %get3A_186 = arith.constant 0 : index
        %get3A_187 = vector.load %arg2[%get3A_183, %get3A_184, %get3A_185, %get3A_186] : memref<1x2048x16x128xbf16, #tpu.memory_space<vmem>>, vector<1x1x16x128xbf16>
        %get3A_188 = vector.shape_cast %get3A_187 : vector<1x1x16x128xbf16> to vector<1x16x128xbf16>
        %reshape3A = vector.shape_cast %get3A_188 : vector<1x16x128xbf16> to vector<16x128xbf16>
        %ne3A_189 = arith.constant 0.000000e+00 : bf16
        %ne3A_190 = vector.broadcast %ne3A_189 : bf16 to vector<16x128xbf16>
        %ne3A_191 = arith.cmpf one, %reshape3A, %ne3A_190 : vector<16x128xbf16>
        %gt3A_192 = vector.broadcast %while3A_149 : i32 to vector<16x128xi32>
        %gt3A_193 = arith.cmpi sgt, %add3A, %gt3A_192 : vector<16x128xi32>
        %and3A_194 = arith.andi %ne3A_191, %gt3A_193 : vector<16x128xi1>
        %get3A_195 = arith.constant 0 : index
        %get3A_196 = arith.constant 0 : index
        %get3A_197 = vector.load %arg7[%get3A_195, %get3A_196] : memref<16x128xf32, #tpu.memory_space<vmem>>, vector<16x128xf32>
        %jit3A_198 = arith.constant 0.000000e+00 : f32
        %broadcast_in_dim3A_199 = vector.broadcast %jit3A_198 : f32 to vector<16x128xf32>
        %select_n3A_200 = arith.select %and3A_194, %broadcast_in_dim3A_199, %get3A_197 : vector<16x128xi1>, vector<16x128xf32>
        %swap3A_201 = arith.constant 0 : index
        %swap3A_202 = arith.constant 0 : index
        %swap3A_203 = vector.load %arg7[%swap3A_201, %swap3A_202] : memref<16x128xf32, #tpu.memory_space<vmem>>, vector<16x128xf32>
        tpu.vector_store %arg7[%swap3A_201, %swap3A_202], %select_n3A_200 {strides = array<i32>} : memref<16x128xf32, #tpu.memory_space<vmem>>, vector<16x128xf32>,
      } else {
      }
    }
    %get3A_20 = arith.constant 0 : index
    %get3A_21 = arith.constant 0 : index
    %get3A_22 = vector.load %arg7[%get3A_20, %get3A_21] : memref<16x128xf32, #tpu.memory_space<vmem>>, vector<16x128xf32>
    %convert_element_type3A = arith.extui %lt3A_6 : vector<16x128xi1> to vector<16x128xi32>
    %convert_element_type3A_23 = arith.sitofp %convert_element_type3A : vector<16x128xi32> to vector<16x128xf32>
    %mul3A_24 = arith.mulf %get3A_22, %convert_element_type3A_23 : vector<16x128xf32>
    %get3A_25 = arith.constant 0 : index
    %get3A_26 = arith.constant 0 : index
    %get3A_27 = arith.constant 0 : index
    %get3A_28 = arith.constant 0 : index
    %get3A_29 = vector.load %arg4[%get3A_25, %get3A_26, %get3A_27, %get3A_28] : memref<1x8x16x128xf32, #tpu.memory_space<vmem>>, vector<1x1x16x128xf32>
    %get3A_30 = vector.shape_cast %get3A_29 : vector<1x1x16x128xf32> to vector<16x128xf32>
    %mul3A_31 = arith.mulf %get3A_30, %mul3A_24 : vector<16x128xf32>
    %swap3A_32 = arith.constant 0 : index
    %swap3A_33 = arith.constant 0 : index
    %swap3A_34 = arith.constant 0 : index
    %swap3A_35 = arith.constant 0 : index
    %swap3A_36 = vector.load %arg5[%swap3A_32, %swap3A_33, %swap3A_34, %swap3A_35] : memref<1x8x16x128xf32, #tpu.memory_space<vmem>>, vector<1x1x16x128xf32>
    %swap3A_37 = vector.shape_cast %swap3A_36 : vector<1x1x16x128xf32> to vector<16x128xf32>
    %swap3A_38 = vector.shape_cast %mul3A_31 : vector<16x128xf32> to vector<1x1x16x128xf32>
    tpu.vector_store %arg5[%swap3A_32, %swap3A_33, %swap3A_34, %swap3A_35], %swap3A_38 {strides = array<i32>} : memref<1x8x16x128xf32, #tpu.memory_space<vmem>>, vector<1x1x16x128xf32>,
    %get3A_39 = arith.constant 0 : index
    %get3A_40 = arith.constant 1 : index
    %get3A_41 = arith.constant 0 : index
    %get3A_42 = arith.constant 0 : index
    %get3A_43 = vector.load %arg4[%get3A_39, %get3A_40, %get3A_41, %get3A_42] : memref<1x8x16x128xf32, #tpu.memory_space<vmem>>, vector<1x1x16x128xf32>
    %get3A_44 = vector.shape_cast %get3A_43 : vector<1x1x16x128xf32> to vector<16x128xf32>
    %mul3A_45 = arith.mulf %get3A_44, %mul3A_24 : vector<16x128xf32>
    %swap3A_46 = arith.constant 0 : index
    %swap3A_47 = arith.constant 1 : index
    %swap3A_48 = arith.constant 0 : index
    %swap3A_49 = arith.constant 0 : index
    %swap3A_50 = vector.load %arg5[%swap3A_46, %swap3A_47, %swap3A_48, %swap3A_49] : memref<1x8x16x128xf32, #tpu.memory_space<vmem>>, vector<1x1x16x128xf32>
    %swap3A_51 = vector.shape_cast %swap3A_50 : vector<1x1x16x128xf32> to vector<16x128xf32>
    %swap3A_52 = vector.shape_cast %mul3A_45 : vector<16x128xf32> to vector<1x1x16x128xf32>
    tpu.vector_store %arg5[%swap3A_46, %swap3A_47, %swap3A_48, %swap3A_49], %swap3A_52 {strides = array<i32>} : memref<1x8x16x128xf32, #tpu.memory_space<vmem>>, vector<1x1x16x128xf32>,
    %get3A_53 = arith.constant 0 : index
    %get3A_54 = arith.constant 2 : index
    %get3A_55 = arith.constant 0 : index
    %get3A_56 = arith.constant 0 : index
    %get3A_57 = vector.load %arg4[%get3A_53, %get3A_54, %get3A_55, %get3A_56] : memref<1x8x16x128xf32, #tpu.memory_space<vmem>>, vector<1x1x16x128xf32>
    %get3A_58 = vector.shape_cast %get3A_57 : vector<1x1x16x128xf32> to vector<16x128xf32>
    %mul3A_59 = arith.mulf %get3A_58, %mul3A_24 : vector<16x128xf32>
    %swap3A_60 = arith.constant 0 : index
    %swap3A_61 = arith.constant 2 : index
    %swap3A_62 = arith.constant 0 : index
    %swap3A_63 = arith.constant 0 : index
    %swap3A_64 = vector.load %arg5[%swap3A_60, %swap3A_61, %swap3A_62, %swap3A_63] : memref<1x8x16x128xf32, #tpu.memory_space<vmem>>, vector<1x1x16x128xf32>
    %swap3A_65 = vector.shape_cast %swap3A_64 : vector<1x1x16x128xf32> to vector<16x128xf32>
    %swap3A_66 = vector.shape_cast %mul3A_59 : vector<16x128xf32> to vector<1x1x16x128xf32>
    tpu.vector_store %arg5[%swap3A_60, %swap3A_61, %swap3A_62, %swap3A_63], %swap3A_66 {strides = array<i32>} : memref<1x8x16x128xf32, #tpu.memory_space<vmem>>, vector<1x1x16x128xf32>,
    %get3A_67 = arith.constant 0 : index
    %get3A_68 = arith.constant 3 : index
    %get3A_69 = arith.constant 0 : index
    %get3A_70 = arith.constant 0 : index
    %get3A_71 = vector.load %arg4[%get3A_67, %get3A_68, %get3A_69, %get3A_70] : memref<1x8x16x128xf32, #tpu.memory_space<vmem>>, vector<1x1x16x128xf32>
    %get3A_72 = vector.shape_cast %get3A_71 : vector<1x1x16x128xf32> to vector<16x128xf32>
    %mul3A_73 = arith.mulf %get3A_72, %mul3A_24 : vector<16x128xf32>
    %swap3A_74 = arith.constant 0 : index
    %swap3A_75 = arith.constant 3 : index
    %swap3A_76 = arith.constant 0 : index
    %swap3A_77 = arith.constant 0 : index
    %swap3A_78 = vector.load %arg5[%swap3A_74, %swap3A_75, %swap3A_76, %swap3A_77] : memref<1x8x16x128xf32, #tpu.memory_space<vmem>>, vector<1x1x16x128xf32>
    %swap3A_79 = vector.shape_cast %swap3A_78 : vector<1x1x16x128xf32> to vector<16x128xf32>
    %swap3A_80 = vector.shape_cast %mul3A_73 : vector<16x128xf32> to vector<1x1x16x128xf32>
    tpu.vector_store %arg5[%swap3A_74, %swap3A_75, %swap3A_76, %swap3A_77], %swap3A_80 {strides = array<i32>} : memref<1x8x16x128xf32, #tpu.memory_space<vmem>>, vector<1x1x16x128xf32>,
    %get3A_81 = arith.constant 0 : index
    %get3A_82 = arith.constant 4 : index
    %get3A_83 = arith.constant 0 : index
    %get3A_84 = arith.constant 0 : index
    %get3A_85 = vector.load %arg4[%get3A_81, %get3A_82, %get3A_83, %get3A_84] : memref<1x8x16x128xf32, #tpu.memory_space<vmem>>, vector<1x1x16x128xf32>
    %get3A_86 = vector.shape_cast %get3A_85 : vector<1x1x16x128xf32> to vector<16x128xf32>
    %mul3A_87 = arith.mulf %get3A_86, %mul3A_24 : vector<16x128xf32>
    %swap3A_88 = arith.constant 0 : index
    %swap3A_89 = arith.constant 4 : index
    %swap3A_90 = arith.constant 0 : index
    %swap3A_91 = arith.constant 0 : index
    %swap3A_92 = vector.load %arg5[%swap3A_88, %swap3A_89, %swap3A_90, %swap3A_91] : memref<1x8x16x128xf32, #tpu.memory_space<vmem>>, vector<1x1x16x128xf32>
    %swap3A_93 = vector.shape_cast %swap3A_92 : vector<1x1x16x128xf32> to vector<16x128xf32>
    %swap3A_94 = vector.shape_cast %mul3A_87 : vector<16x128xf32> to vector<1x1x16x128xf32>
    tpu.vector_store %arg5[%swap3A_88, %swap3A_89, %swap3A_90, %swap3A_91], %swap3A_94 {strides = array<i32>} : memref<1x8x16x128xf32, #tpu.memory_space<vmem>>, vector<1x1x16x128xf32>,
    %get3A_95 = arith.constant 0 : index
    %get3A_96 = arith.constant 5 : index
    %get3A_97 = arith.constant 0 : index
    %get3A_98 = arith.constant 0 : index
    %get3A_99 = vector.load %arg4[%get3A_95, %get3A_96, %get3A_97, %get3A_98] : memref<1x8x16x128xf32, #tpu.memory_space<vmem>>, vector<1x1x16x128xf32>
    %get3A_100 = vector.shape_cast %get3A_99 : vector<1x1x16x128xf32> to vector<16x128xf32>
    %mul3A_101 = arith.mulf %get3A_100, %mul3A_24 : vector<16x128xf32>
    %swap3A_102 = arith.constant 0 : index
    %swap3A_103 = arith.constant 5 : index
    %swap3A_104 = arith.constant 0 : index
    %swap3A_105 = arith.constant 0 : index
    %swap3A_106 = vector.load %arg5[%swap3A_102, %swap3A_103, %swap3A_104, %swap3A_105] : memref<1x8x16x128xf32, #tpu.memory_space<vmem>>, vector<1x1x16x128xf32>
    %swap3A_107 = vector.shape_cast %swap3A_106 : vector<1x1x16x128xf32> to vector<16x128xf32>
    %swap3A_108 = vector.shape_cast %mul3A_101 : vector<16x128xf32> to vector<1x1x16x128xf32>
    tpu.vector_store %arg5[%swap3A_102, %swap3A_103, %swap3A_104, %swap3A_105], %swap3A_108 {strides = array<i32>} : memref<1x8x16x128xf32, #tpu.memory_space<vmem>>, vector<1x1x16x128xf32>,
    %get3A_109 = arith.constant 0 : index
    %get3A_110 = arith.constant 6 : index
    %get3A_111 = arith.constant 0 : index
    %get3A_112 = arith.constant 0 : index
    %get3A_113 = vector.load %arg4[%get3A_109, %get3A_110, %get3A_111, %get3A_112] : memref<1x8x16x128xf32, #tpu.memory_space<vmem>>, vector<1x1x16x128xf32>
    %get3A_114 = vector.shape_cast %get3A_113 : vector<1x1x16x128xf32> to vector<16x128xf32>
    %mul3A_115 = arith.mulf %get3A_114, %mul3A_24 : vector<16x128xf32>
    %swap3A_116 = arith.constant 0 : index
    %swap3A_117 = arith.constant 6 : index
    %swap3A_118 = arith.constant 0 : index
    %swap3A_119 = arith.constant 0 : index
    %swap3A_120 = vector.load %arg5[%swap3A_116, %swap3A_117, %swap3A_118, %swap3A_119] : memref<1x8x16x128xf32, #tpu.memory_space<vmem>>, vector<1x1x16x128xf32>
    %swap3A_121 = vector.shape_cast %swap3A_120 : vector<1x1x16x128xf32> to vector<16x128xf32>
    %swap3A_122 = vector.shape_cast %mul3A_115 : vector<16x128xf32> to vector<1x1x16x128xf32>
    tpu.vector_store %arg5[%swap3A_116, %swap3A_117, %swap3A_118, %swap3A_119], %swap3A_122 {strides = array<i32>} : memref<1x8x16x128xf32, #tpu.memory_space<vmem>>, vector<1x1x16x128xf32>,
    %get3A_123 = arith.constant 0 : index
    %get3A_124 = arith.constant 7 : index
    %get3A_125 = arith.constant 0 : index
    %get3A_126 = arith.constant 0 : index
    %get3A_127 = vector.load %arg4[%get3A_123, %get3A_124, %get3A_125, %get3A_126] : memref<1x8x16x128xf32, #tpu.memory_space<vmem>>, vector<1x1x16x128xf32>
    %get3A_128 = vector.shape_cast %get3A_127 : vector<1x1x16x128xf32> to vector<16x128xf32>
    %mul3A_129 = arith.mulf %get3A_128, %mul3A_24 : vector<16x128xf32>
    %swap3A_130 = arith.constant 0 : index
    %swap3A_131 = arith.constant 7 : index
    %swap3A_132 = arith.constant 0 : index
    %swap3A_133 = arith.constant 0 : index
    %swap3A_134 = vector.load %arg5[%swap3A_130, %swap3A_131, %swap3A_132, %swap3A_133] : memref<1x8x16x128xf32, #tpu.memory_space<vmem>>, vector<1x1x16x128xf32>
    %swap3A_135 = vector.shape_cast %swap3A_134 : vector<1x1x16x128xf32> to vector<16x128xf32>
    %swap3A_136 = vector.shape_cast %mul3A_129 : vector<16x128xf32> to vector<1x1x16x128xf32>
    tpu.vector_store %arg5[%swap3A_130, %swap3A_131, %swap3A_132, %swap3A_133], %swap3A_136 {strides = array<i32>} : memref<1x8x16x128xf32, #tpu.memory_space<vmem>>, vector<1x1x16x128xf32>,
    %get3A_137 = arith.constant 0 : index
    %get3A_138 = arith.constant 0 : index
    %get3A_139 = arith.constant 0 : index
    %get3A_140 = vector.load %arg3[%get3A_137, %get3A_138, %get3A_139] : memref<1x16x128xf32, #tpu.memory_space<vmem>>, vector<1x16x128xf32>
    %get3A_141 = vector.shape_cast %get3A_140 : vector<1x16x128xf32> to vector<16x128xf32>
    %mul3A_142 = arith.mulf %get3A_141, %mul3A_24 : vector<16x128xf32>
    %swap3A_143 = arith.constant 0 : index
    %swap3A_144 = arith.constant 0 : index
    %swap3A_145 = arith.constant 0 : index
    %swap3A_146 = vector.load %arg6[%swap3A_143, %swap3A_144, %swap3A_145] : memref<1x16x128xf32, #tpu.memory_space<vmem>>, vector<1x16x128xf32>
    %swap3A_147 = vector.shape_cast %swap3A_146 : vector<1x16x128xf32> to vector<16x128xf32>
    %swap3A_148 = vector.shape_cast %mul3A_142 : vector<16x128xf32> to vector<1x16x128xf32>
    tpu.vector_store %arg6[%swap3A_143, %swap3A_144, %swap3A_145], %swap3A_148 {strides = array<i32>} : memref<1x16x128xf32, #tpu.memory_space<vmem>>, vector<1x16x128xf32>,
    return
  }
  func.func @transform_0(%arg0: i32) -> (i32, i32, i32) {
    %c0_i32 = arith.constant 0 : i32
    %c0_i32_0 = arith.constant 0 : i32
    %c0_i32_1 = arith.constant 0 : i32
    return %arg0, %c0_i32, %c0_i32_0 : i32, i32, i32
  }
  func.func @transform_1(%arg0: i32) -> (i32, i32, i32, i32) {
    %c0_i32 = arith.constant 0 : i32
    %c0_i32_0 = arith.constant 0 : i32
    %c0_i32_1 = arith.constant 0 : i32
    %c0_i32_2 = arith.constant 0 : i32
    return %arg0, %c0_i32, %c0_i32_0, %c0_i32_1 : i32, i32, i32, i32
  }
  func.func @transform_2(%arg0: i32) -> (i32, i32, i32) {
    %c0_i32 = arith.constant 0 : i32
    %c0_i32_0 = arith.constant 0 : i32
    %c0_i32_1 = arith.constant 0 : i32
    return %arg0, %c0_i32, %c0_i32_0 : i32, i32, i32
  }
  func.func @transform_3(%arg0: i32) -> (i32, i32, i32, i32) {
    %c0_i32 = arith.constant 0 : i32
    %c0_i32_0 = arith.constant 0 : i32
    %c0_i32_1 = arith.constant 0 : i32
    %c0_i32_2 = arith.constant 0 : i32
    return %arg0, %c0_i32, %c0_i32_0, %c0_i32_1 : i32, i32, i32, i32
  }
  func.func @transform_4(%arg0: i32) -> (i32, i32, i32, i32) {
    %c0_i32 = arith.constant 0 : i32
    %c0_i32_0 = arith.constant 0 : i32
    %c0_i32_1 = arith.constant 0 : i32
    %c0_i32_2 = arith.constant 0 : i32
    return %arg0, %c0_i32, %c0_i32_0, %c0_i32_1 : i32, i32, i32, i32
  }
  func.func @transform_5(%arg0: i32) -> (i32, i32, i32) {
    %c0_i32 = arith.constant 0 : i32
    %c0_i32_0 = arith.constant 0 : i32
    %c0_i32_1 = arith.constant 0 : i32
    return %arg0, %c0_i32, %c0_i32_0 : i32, i32, i32
  }
}

</mosaic_0001>

<sc_bundles>
// kernel: kernel.5.cloned.1.call-start
scs
__scs_entry_jumppad:
0x0: {  	(pc) =	sbr.rel $0x88, $3  }
0x1: {  	(tag) =	ssettag $0x0;
	lr =	simm.s32 $0x1  }
0x2: {  	[smem:$0x3F96] =	sst lr;
	_ =	strace $0xD0000000  }
0x3: {  	_ = 	snop  }
0x4: {  	_ = 	snop  }
0x5: {  	_ = 	snop  }
0x6: {  	_ = 	snop  }
0x7: {  	_ = 	snop  }
__scs_overlays_trampoline_lowered:
0x8: {  	[smem:$0x3FA5] =	sst s0  }
0x9: {  	[smem:$0x3FA6] =	sst s1  }
0xa: {  	[smem:$0x3FA7] =	sst s2  }
0xb: {  	[smem:$0x3FA8] =	sst s3  }
0xc: {  	[smem:$0x3FA9] =	sst s4  }
0xd: {  	[smem:$0x3FAA] =	sst s5  }
0xe: {  	[smem:$0x3FAB] =	sst s6  }
0xf: {  	[smem:$0x3FAC] =	sst s7  }
0x10: {  	[smem:$0x3FAD] =	sst s8  }
0x11: {  	[smem:$0x3FAE] =	sst s9;
	s0 =	simm.s32 @!p0 $0x0  }
0x12: {  	s1 =	sld [smem:$0x3F94];
	s0 =	simm.s32 @p0 $0x1  }
0x13: {  	[smem:$0x3FAF] =	sst s0;
	s0 =	simm.s32 @!p1 $0x0  }
0x14: {  	s2 =	sld [smem:$0x3F93];
	s0 =	simm.s32 @p1 $0x1  }
0x15: {  	[smem:$0x3FB0] =	sst s0;
	s0 =	simm.s32 @!p2 $0x0  }
0x16: {  	s3 =	sld [smem:$0x3FDB];
	s0 =	simm.s32 @p2 $0x1  }
0x17: {  	s4 =	simm.s32 $0x1BF5;
	[smem:$0x3FB2] =	sst s0  }
0x18: {  	s0 =	sld [smem:$0x3F95];
	_ =	swait.ge [sflag:s4], $0x0  }
0x19: {  	s7 =	sld [smem:$0x3F96]  }
0x1a: {  	s8 =	sadd.s32 $0xFFFFE003, lr  }
0x1b: {  	s9 =	sadd.s32 $0xFFFFFEF7, lr;
	s5 =	simm.s32 $0xFFFFFFFF;
	p2 =	slt.u32 s8, $0xFFFFF086  }
0x1c: {  	p1 =	slt.u32 s9, $0xF7A;
	s5 =	simm.s32 @!p2 $0x0  }
0x1d: {  	s5 =	simm.s32 @p1 $0x1;
	p0 =	seq.s32 s7, s2  }
0x1e: {  	s7 =	smul.u32 @!p0 $0xF7A, s2;
	p2 =	seq.s32 @!p0 s5, $0x0  }
0x1f: {  	s9 =	smul.u32 $0xF7A, s1;
	s8 =	simm.s32 @!p0 $0x1BF5;
	p2 =	por !p2, p0  }
0x20: {  	[sflag:s8] =	ssyncset.s32 @!p0 $0xFFFFF086;
	s6 =	sadd.s32 @!p0 s3, s7;
	s7 =	simm.s32 @!p0 $0x108  }
0x21: {  	s3 =	sadd.s32 s3, s9;
	s6 =	sadd.s32 @!p0 $0x88, s6;
	s7 =	simm.s32 @p2 $0x1082  }
0x22: {  	[simem:s7], [sflag:s8] =	dma.local @!p0 [hbm:s6], $0xF7A  }
0x23: {  	s9 =	sor.u32 $0xD0000000, s2;
	s6 =	simm.s32 $0x108;
	_ =	swait.ge @!p0 [sflag:s8], $0x0  }
0x24: {  	s3 =	sadd.s32 $0x88, s3;
	s6 =	simm.s32 @!p1 $0x1082;
	[sflag:s4] =	ssyncset.s32 $0xFFFFF086  }
0x25: {  	[simem:s6], [sflag:s4] =	dma.local [hbm:s3], $0xF7A  }
0x26: {  	[smem:$0x3F96] =	sst s1;
	(tag) =	ssettag s2;
	_ =	strace s9  }
0x27: {  	s1 =	sld [smem:$0x3FA6]  }
0x28: {  	s2 =	sld [smem:$0x3FA7]  }
0x29: {  	s4 =	sld [smem:$0x3FA9]  }
0x2a: {  	p0 =	seq.s32 s5, $0x0;
	s5 =	sld [smem:$0x3FAA]  }
0x2b: {  	s6 =	sld [smem:$0x3FAB]  }
0x2c: {  	s7 =	sld [smem:$0x3FAC]  }
0x2d: {  	s3 =	simm.s32 $0x108;
	s8 =	sld [smem:$0x3FAD]  }
0x2e: {  	s3 =	simm.s32 @!p0 $0x1082;
	s9 =	sld [smem:$0x3FAE]  }
0x2f: {  	lr =	sadd.s32 s0, s3;
	s0 =	sld [smem:$0x3FA5]  }
0x30: {  	s3 =	sld [smem:$0x3FA8]  }
0x31: {  	[smem:$0x3FB1] =	sst s10  }
0x32: {  	s10 =	sld [smem:$0x3FAF];
	_ =	sdelay $0x3  }
0x33: {  	p0 =	seq.s32 s10, $0x1;
	s10 =	sld [smem:$0x3FB1];
	_ =	sdelay $0x3  }
0x34: {  	[smem:$0x3FB1] =	sst s10  }
0x35: {  	s10 =	sld [smem:$0x3FB0];
	_ =	sdelay $0x3  }
0x36: {  	p1 =	seq.s32 s10, $0x1;
	s10 =	sld [smem:$0x3FB1];
	_ =	sdelay $0x3  }
0x37: {  	[smem:$0x3FB1] =	sst s10  }
0x38: {  	s10 =	sld [smem:$0x3FB2]  }
0x39: {  	_ = 	snop;
	(pc) =	sbr.ind lr, $3  }
0x3a: {  	_ = 	snop  }
0x3b: {  	_ = 	snop  }
0x3c: {  	p2 =	seq.s32 s10, $0x1;
	s10 =	sld [smem:$0x3FB1]  }
0x3d: {  	_ =	shalt  }
0x3e: {  	_ =	shalt  }
0x3f: {  	_ =	shalt  }
0x40: {  	_ =	shalt  }
0x41: {  	_ =	shalt  }
0x42: {  	_ =	shalt  }
0x43: {  	_ =	shalt  }
0x44: {  	_ =	shalt  }
0x45: {  	_ =	shalt  }
0x46: {  	_ =	shalt  }
0x47: {  	_ =	shalt  }
0x48: {  	_ =	shalt  }
0x49: {  	_ =	shalt  }
0x4a: {  	_ =	shalt  }
0x4b: {  	_ =	shalt  }
0x4c: {  	_ =	shalt  }
0x4d: {  	_ =	shalt  }
0x4e: {  	_ =	shalt  }
0x4f: {  	_ =	shalt  }
0x50: {  	_ =	shalt  }
0x51: {  	_ =	shalt  }
0x52: {  	_ =	shalt  }
0x53: {  	_ =	shalt  }
0x54: {  	_ =	shalt  }
0x55: {  	_ =	shalt  }
0x56: {  	_ =	shalt  }
0x57: {  	_ =	shalt  }
0x58: {  	_ =	shalt  }
0x59: {  	_ =	shalt  }
0x5a: {  	_ =	shalt  }
0x5b: {  	_ =	shalt  }
0x5c: {  	_ =	shalt  }
0x5d: {  	_ =	shalt  }
0x5e: {  	_ =	shalt  }
0x5f: {  	_ =	shalt  }
0x60: {  	_ =	shalt  }
0x61: {  	_ =	shalt  }
0x62: {  	_ =	shalt  }
0x63: {  	_ =	shalt  }
0x64: {  	_ =	shalt  }
0x65: {  	_ =	shalt  }
0x66: {  	_ =	shalt  }
0x67: {  	_ =	shalt  }
0x68: {  	_ =	shalt  }
0x69: {  	_ =	shalt  }
0x6a: {  	_ =	shalt  }
0x6b: {  	_ =	shalt  }
0x6c: {  	_ =	shalt  }
0x6d: {  	_ =	shalt  }
0x6e: {  	_ =	shalt  }
0x6f: {  	_ =	shalt  }
0x70: {  	_ =	shalt  }
0x71: {  	_ =	shalt  }
0x72: {  	_ =	shalt  }
0x73: {  	_ =	shalt  }
0x74: {  	_ =	shalt  }
0x75: {  	_ =	shalt  }
0x76: {  	_ =	shalt  }
0x77: {  	_ =	shalt  }
0x78: {  	_ =	shalt  }
0x79: {  	_ =	shalt  }
0x7a: {  	_ =	shalt  }
0x7b: {  	_ =	shalt  }
0x7c: {  	_ =	shalt  }
0x7d: {  	_ =	shalt  }
0x7e: {  	_ =	shalt  }
0x7f: {  	_ =	shalt  }
0x80: {  	_ =	shalt  }
0x81: {  	_ =	shalt  }
0x82: {  	_ =	shalt  }
0x83: {  	_ =	shalt  }
0x84: {  	_ =	shalt  }
0x85: {  	_ =	shalt  }
0x86: {  	_ =	shalt  }
0x87: {  	_ =	shalt  }
.Lfunc_end0:
.L_simem_size_0:
called_computation_lowered:
.L_overlay_start_0:
0x88: {  	s2 =	sld [smem:$0x3FD9]  }
0x89: {  	s3 =	sld [smem:$0x3FFE];
	_ =	sdelay $0x1  }
0x8a: {  	s1 =	srdreg.scid  }
0x8b: {  	s0 =	sand.u32 $0x1, s1  }
0x8c: {  	s16 =	sshll.u32 s0, $0xA;
	s2 =	sadd.s32 s3, s2  }
0x8d: {  	s2 =	sadd.s32 s2, s16  }
0x8e: {  	[smem:$0x3FBD] =	sst s2  }
0x8f: {  	_ = 	snop  }
0x90: {  	(tm) =	ssettm $0x1  }
0x91: {  	s17 =	sld [smem:$0x3FFB];
	_ =	sdelay $0x3  }
0x92: {  	_ =	strace s17  }
0x93: {  	s2 =	sld [smem:$0x3FFC];
	_ =	sdelay $0x3  }
0x94: {  	_ =	strace s2  }
0x95: {  	s2 =	sld [smem:$0x3FFD];
	_ =	sdelay $0x3  }
0x96: {  	_ =	strace s2  }
0x97: {  	_ =	strace $0x8FFFFFFF  }
0x98: {  	s18 =	sld [smem:$0x3FDB];
	_ =	sdelay $0x1  }
0x99: {  	s19 =	simm.s32 $_scs_section_size  }
0x9a: {  	s4 =	simm.s32 $_size__tile_overlayer_lowered;
	s5 =	simm.s32 $_tile_overlayer_lowered  }
0x9b: {  	s22 =	simm.s32 $0x1BFF;
	s21 =	sshll.u32 s5, $0x1;
	s2 =	sadd.s32 s19, s18  }
0x9c: {  	s6 =	simm.s32 $0x0;
	s20 =	sshll.u32 s4, $0x1;
	s4 =	sadd.s32 s21, s2  }
0x9d: {  	[timem:s6], [sflag:s22] =	dma.local [hbm:s4], s20  }
0x9e: {  	_ =	swait.ge [sflag:s22], s20  }
0x9f: {  	s3 =	ssub.s32 $0x0, s20;
	[sflag:s22] =	ssyncset.done $0x0  }
0xa0: {  	[sflag:s22] =	ssyncadd.s32 s3;
	_ =	sdelay $0x1  }
0xa1: {  	s23 =	simm.s32 $0x1B8B  }
0xa2: {  	_ =	swait.ge [sflag:s23], $0x1  }
0xa3: {  	[sflag:s23] =	ssyncset.done $0x0  }
0xa4: {  	s25 =	simm.s32 $0x1B8E;
	s24 =	sld [smem:$0x3FFE];
	[sflag:s23] =	ssyncadd.s32 $0xFFFFFFFF  }
0xa5: {  	s26 =	simm.s32 $execute0_lowered;
	[smem:$0x3FD2] =	sst s25  }
0xa6: {  	s4 =	sshll.u32 s26, $0x1;
	_ =	strace $0x80000046;
	[dreg:$0x1] =	wrdreg $0xFFFFFFFF  }
0xa7: {  	s28 =	simm.s32 $_size_execute0_lowered;
	s2 =	sadd.s32 s2, s4;
	[dreg:$0x0] =	wrdreg $0x0  }
0xa8: {  	s4 =	sshll.u32 s28, $0x1;
	[dreg:$0x2] =	wrdreg s2  }
0xa9: {  	[dreg:$0x3] =	wrdreg s4  }
0xaa: {  	[dreg:$0x4] =	wrdreg $0xC0  }
0xab: {  	_ =	task [dreg:s6], $0x5FFFF  }
0xac: {  	[dreg:$0x1] =	wrdreg $0xFFFFFFFF  }
0xad: {  	[dreg:$0x0] =	wrdreg $0x60  }
0xae: {  	[dreg:$0x2] =	wrdreg s24  }
0xaf: {  	[dreg:$0x3] =	wrdreg $0x9  }
0xb0: {  	_ =	task.clear_ibuf [dreg:s6], $0x4FFFF;
	_ =	strace $0x90000046  }
0xb1: {  	s29 =	simm.s32 $0x9;
	_ =	strace $0x80000048  }
0xb2: {  	_ =	swait.ge [sflag:s29], $0x1  }
0xb3: {  	[sflag:s29] =	ssyncadd.s32 $0xFFFFFFFF  }
0xb4: {  	_ =	strace $0x90000048  }
0xb5: {  	_ =	sfence  }
0xb6: {  	s30 =	sld [smem:$0x0];
	_ =	sdelay $0x2  }
0xb7: {  	s31 =	sshll.u32 s1, $0xD;
	s1 =	sshrl.u32 s1, $0x2  }
0xb8: {  	s3 =	sand.u32 $0x4000, s31;
	s1 =	sadd.s32 s1, s30  }
0xb9: {  	s0 =	sor.u32 s3, s0;
	s1 =	sshll.u32 s1, $0x11  }
0xba: {  	s0 =	sor.u32 s1, s0  }
0xbb: {  	s0 =	sadd.s32 $0x8F2B, s0  }
0xbc: {  	[sflag:s0] =	ssyncadd.remote.s32 $0x1  }
0xbd: {  	_ =	sfence.sel $0xFFFF  }
0xbe: {  	[dreg:$0x0] =	wrdreg $0xFFFFFFFF;
	(pc) =	sbr.abs _section_cstart, $3  }
0xbf: {  	[dreg:$0x1] =	wrdreg $0xFFFFFFFF  }
0xc0: {  	_ =	task.clear_ibuf [dreg:s6], $0x2FFFF;
	_ =	strace $0x9FFFFFFF  }
0xc1: {  	(tm) =	ssettm $0x7FFFFFFF  }
tec
execute0_lowered:
.L_overlay_start_1:
0x0: {  	(tag) =	ssettag $0x1  }
0x1: {  	s1 =	srdreg.scid;
	s0 =	stileid.u32  }
0x2: {  	s8 =	rddreg [dreg:$0x0];
	s6 =	sand.u32 $0x1, s1;
	s30 =	sshll.u32 s0, $0x1  }
0x3: {  	s2 =	simm.s32 $0x0;
	s1 =	rddreg [dreg:$0x1];
	s7 =	sor.u32 s6, s30  }
0x4: {  	[smem:$0x7FF] =	sst s2;
	s3 =	smul.u32 $0x50, s7  }
0x5: {  	s5 =	sadd.s32 $0x200A00, s8;
	_ =	strace $0x80000047;
	s10 =	ssub.s32 $0x2, s6  }
0x6: {  	s6 =	simm.s32 $0x280;
	s4 =	sadd.s32 s8, s3;
	s3 =	simm.s32 $0x2  }
0x7: {  	[tilespmem:s2], [sflag:$0x2] =	stream.linear.gather [hbm4b:s4+s2], $0x280, $0x38;
	[tilespmem:$0x14280] =	vst v63  }
0x8: {  	s9 =	smul.u32 $0x2800, s7;
	s11 =	sshrl.u32 s10, $0x1;
	_ =	swait.ge [sflag:s3], $0x280  }
0x9: {  	s7 =	simm.s32 $0x1;
	s31 =	ssub.s32 s10, s11;
	[sflag:s3] =	ssyncset.done $0x0  }
0xa: {  	s8 =	sadd.s32 s9, s8;
	s9 =	smax.u32 s31, $0x1;
	[sflag:s3] =	ssyncadd.s32 $0xFFFFFD80  }
0xb: {  	[tilespmem:s6], [sflag:$0x1] =	stream.indirect.gather [hbm4b:s5+s6], $0x80, s2, s6, $0xb8;
	[tilespmem:$0x14280] =	vst v63  }
0xc: {  	p0 =	sne.s32 s9, $0x1;
	_ =	swait.ge [sflag:s7], $0x14000  }
.Ltmp0:
0xd: {  	[sflag:s7] =	ssyncset.done $0x0;
	(pc) =	sbr.rel @!p0 .LBB2_2-.Ltmp0, $4  }
0xe: {  	s8 =	sadd.s32 $0x1200, s8;
	[sflag:s7] =	ssyncadd.s32 $0xFFFEC000  }
0xf: {  	[hbm4b:s8+s2] =	stream.linear.scatter [tilespmem:s6], [sflag:$0x2], $0x14000, $0x38;
	[tilespmem:$0x14280] =	vst v63  }
0x10: {  	_ =	swait.ge [sflag:s3], $0x14000  }
0x11: {  	s9 =	sadd.s32 $0xFFFFFFFF, s9;
	[sflag:s3] =	ssyncset.done $0x0  }
.LBB2_1:
0x12: {  	p0 =	sne.s32 s9, $0x1;
	s9 =	sadd.s32 $0xFFFFFFFF, s9;
	[sflag:s3] =	ssyncadd.s32 $0xFFFEC000  }
0x13: {  	[tilespmem:s2], [sflag:$0x2] =	stream.linear.gather [hbm4b:s4+s2], $0x280, $0x38;
	[tilespmem:$0x14280] =	vst v63  }
0x14: {  	_ =	swait.ge [sflag:s3], $0x280  }
0x15: {  	[sflag:s3] =	ssyncset.done $0x0  }
0x16: {  	[sflag:s3] =	ssyncadd.s32 $0xFFFFFD80  }
0x17: {  	[tilespmem:s6], [sflag:$0x1] =	stream.indirect.gather [hbm4b:s5+s6], $0x80, s2, s6, $0xb8;
	[tilespmem:$0x14280] =	vst v63  }
0x18: {  	_ =	swait.ge [sflag:s7], $0x14000  }
.Ltmp1:
0x19: {  	[sflag:s7] =	ssyncset.done $0x0;
	(pc) =	sbr.rel @p0 .LBB2_1-.Ltmp1, $4  }
0x1a: {  	[sflag:s7] =	ssyncadd.s32 $0xFFFEC000  }
0x1b: {  	[hbm4b:s8+s2] =	stream.linear.scatter [tilespmem:s6], [sflag:$0x2], $0x14000, $0x38;
	[tilespmem:$0x14280] =	vst v63  }
0x1c: {  	_ =	swait.ge [sflag:s3], $0x14000  }
0x1d: {  	[sflag:s3] =	ssyncset.done $0x0  }
.LBB2_2:
0x1e: {  	[sflag:s3] =	ssyncadd.s32 $0xFFFEC000  }
0x1f: {  	_ =	sfence.sel $0x180000  }
0x20: {  	[bflag:$0x0] =	sbarrier.arrive $0xFFFF  }
0x21: {  	p0 =	sne.s32 s0, $0x0;
	_ =	strace $0x90000047  }
0x22: {  	s0 =	sadd.s32 @!p0 $0x100000, s1;
	[bflag:$0x2] =	sbarrier.arrive $0xFFFF  }
0x23: {  	[sflag:s0] =	ssyncadd.tile.s32 @!p0 $0x1;
	_ =	shalt  }
.Lfunc_end2:
_tile_overlayer_lowered:
.L_overlay_start_2:
0x24: {  	(tag) =	ssettag $0x2  }
0x25: {  	s0 =	rddreg [dreg:$0x0];
	s2 =	stileid.u32  }
0x26: {  	s1 =	rddreg [dreg:$0x1];
	p0 =	sne.s32 s2, $0x0  }
0x27: {  	s3 =	rddreg [dreg:$0x2];
	[bflag:$0x3] =	sbarrier.arrive $0xFFFF;
	s2 =	simm.s32 @!p0 $0x1C02  }
0x28: {  	[timem:s3], [sflag:s2] =	dma.local @!p0 [hbm:s0], s1  }
0x29: {  	s0 =	simm.s32 @!p0 $0x2  }
0x2a: {  	_ =	swait.ge @!p0 [sflag:s0], s1  }
0x2b: {  	s1 =	ssub.s32 @!p0 $0x0, s1;
	[sflag:s0] =	ssyncset.done @!p0 $0x0  }
0x2c: {  	[sflag:s0] =	ssyncadd.s32 @!p0 s1  }
0x2d: {  	[bflag:$0x3] =	sbarrier.arrive $0xFFFF  }
0x2e: {  	_ =	shalt  }

</sc_bundles>
